<compile_context>
chip_gen: v7x
topology: tpu7x:2x2x1
jax: 0.10.2.dev20260603
libtpu: 0.0.44.dev20260713+nightly
codegen_flags: <defaults>
</compile_context>

<pallas_src>
import jax
import jax.numpy as jnp
from jax import lax
from jax.experimental import pallas as pl
from jax.experimental.pallas import tpu as pltpu
from jax.experimental.pallas import tpu_sc as plsc

N_CLASSES = 1000
N_UNITS = 128
BATCH = 16384

NC = 2
NS = 16
LANES = 16
NW = NC * NS
B_PER_W = BATCH // NW
CHUNK = 64
NCHUNK = B_PER_W // CHUNK
RING = 6
PREFETCH = 5


def _gate_kernel(x_hbm, label_hbm, table_hbm, out_hbm,
                 idx_v, rows_v, x_v, table_sh, gsem, lsem, ssem):
    sid = lax.axis_index("s")
    wid = sid * NC + lax.axis_index("c")
    base = wid * B_PER_W

    for c in range(PREFETCH):
        pltpu.async_copy(
            x_hbm.at[pl.ds(base + c * CHUNK, CHUNK)],
            x_v.at[pl.ds(c * CHUNK, CHUNK)], lsem)

    @pl.when(sid < 7)
    def _stage():
        r0 = sid * 128
        pltpu.sync_copy(table_hbm.at[pl.ds(r0, 128)],
                        table_sh.at[pl.ds(r0, 128)])

    @pl.when(sid == 7)
    def _stage_tail():
        pltpu.sync_copy(table_hbm.at[pl.ds(896, N_CLASSES - 896)],
                        table_sh.at[pl.ds(896, N_CLASSES - 896)])

    pltpu.sync_copy(label_hbm.at[pl.ds(base, B_PER_W)], idx_v)
    plsc.subcore_barrier()

    for c in range(NCHUNK):
        pltpu.async_copy(
            table_sh.at[idx_v.at[pl.ds(c * CHUNK, CHUNK)]],
            rows_v.at[pl.ds(c * CHUNK, CHUNK)], gsem)

    def chunk(c, carry):
        xoff = pl.multiple_of(lax.rem(c, RING) * CHUNK, CHUNK)
        roff = pl.multiple_of(c * CHUNK, CHUNK)
        pltpu.make_async_copy(
            table_sh.at[idx_v.at[pl.ds(roff, CHUNK)]],
            rows_v.at[pl.ds(roff, CHUNK)], gsem).wait()
        pltpu.make_async_copy(
            x_hbm.at[pl.ds(base, CHUNK)], x_v.at[pl.ds(xoff, CHUNK)], lsem).wait()

        @plsc.parallel_loop(0, CHUNK, unroll=4)
        def body(r):
            for j in range(N_UNITS // LANES):
                sl = pl.ds(j * LANES, LANES)
                x_v[xoff + r, sl] = x_v[xoff + r, sl] * rows_v[roff + r, sl]

        @pl.when(jnp.logical_and(c >= 1, c + PREFETCH < NCHUNK))
        def _drain_store():
            pltpu.make_async_copy(
                x_v.at[pl.ds(0, CHUNK)], out_hbm.at[pl.ds(base, CHUNK)],
                ssem).wait()

        @pl.when(c + PREFETCH < NCHUNK)
        def _next_load():
            off2 = pl.multiple_of(lax.rem(c + PREFETCH, RING) * CHUNK, CHUNK)
            pltpu.async_copy(
                x_hbm.at[pl.ds(base + (c + PREFETCH) * CHUNK, CHUNK)],
                x_v.at[pl.ds(off2, CHUNK)], lsem)

        pltpu.async_copy(
            x_v.at[pl.ds(xoff, CHUNK)],
            out_hbm.at[pl.ds(base + c * CHUNK, CHUNK)], ssem)
        return carry

    lax.fori_loop(0, NCHUNK, chunk, 0)

    for _ in range(PREFETCH + 1):
        pltpu.make_async_copy(
            x_v.at[pl.ds(0, CHUNK)], out_hbm.at[pl.ds(base, CHUNK)],
            ssem).wait()


@jax.jit
def kernel(x, label, class_profile):
    mesh = plsc.VectorSubcoreMesh(core_axis_name="c", subcore_axis_name="s")
    run = pl.kernel(
        _gate_kernel,
        out_type=jax.ShapeDtypeStruct((BATCH, N_UNITS), jnp.float32),
        mesh=mesh,
        scratch_types=[
            pltpu.VMEM((B_PER_W,), jnp.int32),
            pltpu.VMEM((B_PER_W, N_UNITS), jnp.float32),
            pltpu.VMEM((RING * CHUNK, N_UNITS), jnp.float32),
            pltpu.VMEM_SHARED((N_CLASSES, N_UNITS), jnp.float32),
            pltpu.SemaphoreType.DMA,
            pltpu.SemaphoreType.DMA,
            pltpu.SemaphoreType.DMA,
        ],
    )
    return run(x, label, class_profile)

# --- scband reference (transcript-rebuilt; emitter-appended) ---
"""Pipeline reference for scband-class-aware-gate-9174050144449 (READ-ONLY COPY).

The authoritative reference and input builder live on the scoring server;
editing this copy changes nothing except your own understanding.
"""

import jax, jax.numpy as jnp
import numpy as np

N_CLASSES = 1000
N_UNITS = 128
BATCH = 16384


def setup_inputs(seed: int = 0) -> dict:
    key = jax.random.key(seed)
    k1, k2 = jax.random.split(key)
    x = jax.random.normal(k1, (BATCH, N_UNITS), dtype=jnp.float32)
    label = jax.random.randint(k2, (BATCH,), 0, N_CLASSES, dtype=jnp.int32)
    # class_profile parameter: alpha/beta unspecified -> all-ones profile
    class_profile = jnp.ones((N_CLASSES, N_UNITS), dtype=jnp.float32)
    return {"x": x, "label": label, "class_profile": class_profile}


def reference(x, label, class_profile):
    # forward: x * class_profile[label.flatten()]
    gathered = jnp.take(class_profile, label.reshape(-1), axis=0)
    return x * gathered

if __name__ == "__main__":
    import jax
    _d = setup_inputs()
    print(jax.jit(kernel)(*tuple(_d.values())))

</pallas_src>

<mosaic_0001>
#map = affine_map<(d0, d1) -> (0, 0)>
#map1 = affine_map<(d0, d1) -> (0)>
module attributes {stable_mosaic.version = 14 : i64} {
  func.func @_gate_kernel(%arg0: i32, %arg1: i32, %arg2: memref<16384x128xf32, #tpu.memory_space<hbm>>, %arg3: memref<16384xi32, #tpu.memory_space<hbm>>, %arg4: memref<1000x128xf32, #tpu.memory_space<hbm>>, %arg5: memref<16384x128xf32, #tpu.memory_space<hbm>>, %arg6: memref<512xi32, #tpu.memory_space<vmem>>, %arg7: memref<512x128xf32, #tpu.memory_space<vmem>>, %arg8: memref<384x128xf32, #tpu.memory_space<vmem>>, %arg9: memref<1000x128xf32, #tpu.memory_space<vmem_shared>>, %arg10: memref<!tpu.dma_semaphore, #tpu.memory_space<semaphore_mem>>, %arg11: memref<!tpu.dma_semaphore, #tpu.memory_space<semaphore_mem>>, %arg12: memref<!tpu.dma_semaphore, #tpu.memory_space<semaphore_mem>>) attributes {dimension_semantics = [#tpu.dimension_semantics<core_parallel>, #tpu.dimension_semantics<subcore_parallel>], iteration_bounds = array<i64: 2, 16>, scalar_prefetch = 0 : i64, scratch_operands = 7 : i64, tpu.core_type = #tpu.core_type<sc_vector_subcore>, window_params = [{transform_indices = #map}, {transform_indices = #map1}, {transform_indices = #map}, {transform_indices = #map}]} {
    %mul3A = arith.constant 2 : i32
    %mul3A_0 = arith.muli %arg1, %mul3A : i32
    %add3A = arith.addi %mul3A_0, %arg0 : i32
    %mul3A_1 = arith.constant 512 : i32
    %mul3A_2 = arith.muli %add3A, %mul3A_1 : i32
    %add3A_3 = arith.constant 0 : i32
    %add3A_4 = arith.addi %mul3A_2, %add3A_3 : i32
    %dma_start3A = arith.constant 0 : i32
    %dma_start3A_5 = arith.constant 0 : i32
    %dma_start3A_6 = tpu.memref_slice %arg8[%dma_start3A, %dma_start3A_5] : memref<384x128xf32, #tpu.memory_space<vmem>> -> memref<64x128xf32, #tpu.memory_space<vmem>>
    %dma_start3A_7 = arith.constant 0 : i32
    %dma_start3A_8 = tpu.memref_slice %arg2[%add3A_4, %dma_start3A_7] : memref<16384x128xf32, #tpu.memory_space<hbm>> -> memref<64x128xf32, #tpu.memory_space<hbm>>
    %dma_start3A_9 = arith.constant 0 : i32
    %dma_start3A_10 = arith.constant 0 : i32
    %dma_start3A_11 = tpu.memref_slice %arg8[%dma_start3A_9, %dma_start3A_10] : memref<384x128xf32, #tpu.memory_space<vmem>> -> memref<64x128xf32, #tpu.memory_space<vmem>>
    %dma_start3A_12 = arith.constant 0 : i32
    %dma_start3A_13 = tpu.memref_slice %arg2[%add3A_4, %dma_start3A_12] : memref<16384x128xf32, #tpu.memory_space<hbm>> -> memref<64x128xf32, #tpu.memory_space<hbm>>
    tpu.enqueue_dma source(%dma_start3A_13 : memref<64x128xf32, #tpu.memory_space<hbm>>) target(%dma_start3A_11 : memref<64x128xf32, #tpu.memory_space<vmem>>) target_semaphore(%arg11 : memref<!tpu.dma_semaphore, #tpu.memory_space<semaphore_mem>>)
    %add3A_14 = arith.constant 64 : i32
    %add3A_15 = arith.addi %mul3A_2, %add3A_14 : i32
    %dma_start3A_16 = arith.constant 64 : i32
    %dma_start3A_17 = arith.constant 0 : i32
    %dma_start3A_18 = tpu.memref_slice %arg8[%dma_start3A_16, %dma_start3A_17] : memref<384x128xf32, #tpu.memory_space<vmem>> -> memref<64x128xf32, #tpu.memory_space<vmem>>
    %dma_start3A_19 = arith.constant 0 : i32
    %dma_start3A_20 = tpu.memref_slice %arg2[%add3A_15, %dma_start3A_19] : memref<16384x128xf32, #tpu.memory_space<hbm>> -> memref<64x128xf32, #tpu.memory_space<hbm>>
    %dma_start3A_21 = arith.constant 64 : i32
    %dma_start3A_22 = arith.constant 0 : i32
    %dma_start3A_23 = tpu.memref_slice %arg8[%dma_start3A_21, %dma_start3A_22] : memref<384x128xf32, #tpu.memory_space<vmem>> -> memref<64x128xf32, #tpu.memory_space<vmem>>
    %dma_start3A_24 = arith.constant 0 : i32
    %dma_start3A_25 = tpu.memref_slice %arg2[%add3A_15, %dma_start3A_24] : memref<16384x128xf32, #tpu.memory_space<hbm>> -> memref<64x128xf32, #tpu.memory_space<hbm>>
    tpu.enqueue_dma source(%dma_start3A_25 : memref<64x128xf32, #tpu.memory_space<hbm>>) target(%dma_start3A_23 : memref<64x128xf32, #tpu.memory_space<vmem>>) target_semaphore(%arg11 : memref<!tpu.dma_semaphore, #tpu.memory_space<semaphore_mem>>)
    %add3A_26 = arith.constant 128 : i32
    %add3A_27 = arith.addi %mul3A_2, %add3A_26 : i32
    %dma_start3A_28 = arith.constant 128 : i32
    %dma_start3A_29 = arith.constant 0 : i32
    %dma_start3A_30 = tpu.memref_slice %arg8[%dma_start3A_28, %dma_start3A_29] : memref<384x128xf32, #tpu.memory_space<vmem>> -> memref<64x128xf32, #tpu.memory_space<vmem>>
    %dma_start3A_31 = arith.constant 0 : i32
    %dma_start3A_32 = tpu.memref_slice %arg2[%add3A_27, %dma_start3A_31] : memref<16384x128xf32, #tpu.memory_space<hbm>> -> memref<64x128xf32, #tpu.memory_space<hbm>>
    %dma_start3A_33 = arith.constant 128 : i32
    %dma_start3A_34 = arith.constant 0 : i32
    %dma_start3A_35 = tpu.memref_slice %arg8[%dma_start3A_33, %dma_start3A_34] : memref<384x128xf32, #tpu.memory_space<vmem>> -> memref<64x128xf32, #tpu.memory_space<vmem>>
    %dma_start3A_36 = arith.constant 0 : i32
    %dma_start3A_37 = tpu.memref_slice %arg2[%add3A_27, %dma_start3A_36] : memref<16384x128xf32, #tpu.memory_space<hbm>> -> memref<64x128xf32, #tpu.memory_space<hbm>>
    tpu.enqueue_dma source(%dma_start3A_37 : memref<64x128xf32, #tpu.memory_space<hbm>>) target(%dma_start3A_35 : memref<64x128xf32, #tpu.memory_space<vmem>>) target_semaphore(%arg11 : memref<!tpu.dma_semaphore, #tpu.memory_space<semaphore_mem>>)
    %add3A_38 = arith.constant 192 : i32
    %add3A_39 = arith.addi %mul3A_2, %add3A_38 : i32
    %dma_start3A_40 = arith.constant 192 : i32
    %dma_start3A_41 = arith.constant 0 : i32
    %dma_start3A_42 = tpu.memref_slice %arg8[%dma_start3A_40, %dma_start3A_41] : memref<384x128xf32, #tpu.memory_space<vmem>> -> memref<64x128xf32, #tpu.memory_space<vmem>>
    %dma_start3A_43 = arith.constant 0 : i32
    %dma_start3A_44 = tpu.memref_slice %arg2[%add3A_39, %dma_start3A_43] : memref<16384x128xf32, #tpu.memory_space<hbm>> -> memref<64x128xf32, #tpu.memory_space<hbm>>
    %dma_start3A_45 = arith.constant 192 : i32
    %dma_start3A_46 = arith.constant 0 : i32
    %dma_start3A_47 = tpu.memref_slice %arg8[%dma_start3A_45, %dma_start3A_46] : memref<384x128xf32, #tpu.memory_space<vmem>> -> memref<64x128xf32, #tpu.memory_space<vmem>>
    %dma_start3A_48 = arith.constant 0 : i32
    %dma_start3A_49 = tpu.memref_slice %arg2[%add3A_39, %dma_start3A_48] : memref<16384x128xf32, #tpu.memory_space<hbm>> -> memref<64x128xf32, #tpu.memory_space<hbm>>
    tpu.enqueue_dma source(%dma_start3A_49 : memref<64x128xf32, #tpu.memory_space<hbm>>) target(%dma_start3A_47 : memref<64x128xf32, #tpu.memory_space<vmem>>) target_semaphore(%arg11 : memref<!tpu.dma_semaphore, #tpu.memory_space<semaphore_mem>>)
    %add3A_50 = arith.constant 256 : i32
    %add3A_51 = arith.addi %mul3A_2, %add3A_50 : i32
    %dma_start3A_52 = arith.constant 256 : i32
    %dma_start3A_53 = arith.constant 0 : i32
    %dma_start3A_54 = tpu.memref_slice %arg8[%dma_start3A_52, %dma_start3A_53] : memref<384x128xf32, #tpu.memory_space<vmem>> -> memref<64x128xf32, #tpu.memory_space<vmem>>
    %dma_start3A_55 = arith.constant 0 : i32
    %dma_start3A_56 = tpu.memref_slice %arg2[%add3A_51, %dma_start3A_55] : memref<16384x128xf32, #tpu.memory_space<hbm>> -> memref<64x128xf32, #tpu.memory_space<hbm>>
    %dma_start3A_57 = arith.constant 256 : i32
    %dma_start3A_58 = arith.constant 0 : i32
    %dma_start3A_59 = tpu.memref_slice %arg8[%dma_start3A_57, %dma_start3A_58] : memref<384x128xf32, #tpu.memory_space<vmem>> -> memref<64x128xf32, #tpu.memory_space<vmem>>
    %dma_start3A_60 = arith.constant 0 : i32
    %dma_start3A_61 = tpu.memref_slice %arg2[%add3A_51, %dma_start3A_60] : memref<16384x128xf32, #tpu.memory_space<hbm>> -> memref<64x128xf32, #tpu.memory_space<hbm>>
    tpu.enqueue_dma source(%dma_start3A_61 : memref<64x128xf32, #tpu.memory_space<hbm>>) target(%dma_start3A_59 : memref<64x128xf32, #tpu.memory_space<vmem>>) target_semaphore(%arg11 : memref<!tpu.dma_semaphore, #tpu.memory_space<semaphore_mem>>)
    %lt3A = arith.constant 7 : i32
    %lt3A_62 = arith.cmpi slt, %arg1, %lt3A : i32
    %convert_element_type3A = arith.extui %lt3A_62 : i1 to i32
    %cond3A = arith.constant 0 : i32
    %cond3A_63 = arith.cmpi ne, %convert_element_type3A, %cond3A : i32
    scf.if %cond3A_63 {
      %mul3A_196 = arith.constant 128 : i32
      %mul3A_197 = arith.muli %arg1, %mul3A_196 : i32
      "tpu.region"() ({
        %run_scoped3A = tpu.sem_alloc : memref<!tpu.dma_semaphore, #tpu.memory_space<semaphore_mem>>
        %dma_start3A_198 = arith.constant 0 : i32
        %dma_start3A_199 = tpu.memref_slice %arg9[%mul3A_197, %dma_start3A_198] : memref<1000x128xf32, #tpu.memory_space<vmem_shared>> -> memref<128x128xf32, #tpu.memory_space<vmem_shared>>
        %dma_start3A_200 = arith.constant 0 : i32
        %dma_start3A_201 = tpu.memref_slice %arg4[%mul3A_197, %dma_start3A_200] : memref<1000x128xf32, #tpu.memory_space<hbm>> -> memref<128x128xf32, #tpu.memory_space<hbm>>
        tpu.enqueue_dma source(%dma_start3A_201 : memref<128x128xf32, #tpu.memory_space<hbm>>) target(%dma_start3A_199 : memref<128x128xf32, #tpu.memory_space<vmem_shared>>) target_semaphore(%run_scoped3A : memref<!tpu.dma_semaphore, #tpu.memory_space<semaphore_mem>>)
        %dma_wait3A_202 = arith.constant 0 : i32
        %dma_wait3A_203 = tpu.memref_slice %arg9[%mul3A_197, %dma_wait3A_202] : memref<1000x128xf32, #tpu.memory_space<vmem_shared>> -> memref<128x128xf32, #tpu.memory_space<vmem_shared>>
        %dma_wait3A_204 = arith.constant 0 : i32
        %dma_wait3A_205 = tpu.memref_slice %arg4[%mul3A_197, %dma_wait3A_204] : memref<1000x128xf32, #tpu.memory_space<hbm>> -> memref<128x128xf32, #tpu.memory_space<hbm>>
        tpu.wait_dma2 semaphore(%run_scoped3A : memref<!tpu.dma_semaphore, #tpu.memory_space<semaphore_mem>>) src(%dma_wait3A_205 : memref<128x128xf32, #tpu.memory_space<hbm>>) dst(%dma_wait3A_203 : memref<128x128xf32, #tpu.memory_space<vmem_shared>>)
        tpu.yield
      }) : () -> ()
    } else {
    }
    %eq3A = arith.constant 7 : i32
    %eq3A_64 = arith.cmpi eq, %arg1, %eq3A : i32
    %convert_element_type3A_65 = arith.extui %eq3A_64 : i1 to i32
    %cond3A_66 = arith.constant 0 : i32
    %cond3A_67 = arith.cmpi ne, %convert_element_type3A_65, %cond3A_66 : i32
    scf.if %cond3A_67 {
      "tpu.region"() ({
        %run_scoped3A = tpu.sem_alloc : memref<!tpu.dma_semaphore, #tpu.memory_space<semaphore_mem>>
        %dma_start3A_196 = arith.constant 896 : i32
        %dma_start3A_197 = arith.constant 0 : i32
        %dma_start3A_198 = tpu.memref_slice %arg9[%dma_start3A_196, %dma_start3A_197] : memref<1000x128xf32, #tpu.memory_space<vmem_shared>> -> memref<104x128xf32, #tpu.memory_space<vmem_shared>>
        %dma_start3A_199 = arith.constant 896 : i32
        %dma_start3A_200 = arith.constant 0 : i32
        %dma_start3A_201 = tpu.memref_slice %arg4[%dma_start3A_199, %dma_start3A_200] : memref<1000x128xf32, #tpu.memory_space<hbm>> -> memref<104x128xf32, #tpu.memory_space<hbm>>
        tpu.enqueue_dma source(%dma_start3A_201 : memref<104x128xf32, #tpu.memory_space<hbm>>) target(%dma_start3A_198 : memref<104x128xf32, #tpu.memory_space<vmem_shared>>) target_semaphore(%run_scoped3A : memref<!tpu.dma_semaphore, #tpu.memory_space<semaphore_mem>>)
        %dma_wait3A_202 = arith.constant 896 : i32
        %dma_wait3A_203 = arith.constant 0 : i32
        %dma_wait3A_204 = tpu.memref_slice %arg9[%dma_wait3A_202, %dma_wait3A_203] : memref<1000x128xf32, #tpu.memory_space<vmem_shared>> -> memref<104x128xf32, #tpu.memory_space<vmem_shared>>
        %dma_wait3A_205 = arith.constant 896 : i32
        %dma_wait3A_206 = arith.constant 0 : i32
        %dma_wait3A_207 = tpu.memref_slice %arg4[%dma_wait3A_205, %dma_wait3A_206] : memref<1000x128xf32, #tpu.memory_space<hbm>> -> memref<104x128xf32, #tpu.memory_space<hbm>>
        tpu.wait_dma2 semaphore(%run_scoped3A : memref<!tpu.dma_semaphore, #tpu.memory_space<semaphore_mem>>) src(%dma_wait3A_207 : memref<104x128xf32, #tpu.memory_space<hbm>>) dst(%dma_wait3A_204 : memref<104x128xf32, #tpu.memory_space<vmem_shared>>)
        tpu.yield
      }) : () -> ()
    } else {
    }
    "tpu.region"() ({
      %run_scoped3A = tpu.sem_alloc : memref<!tpu.dma_semaphore, #tpu.memory_space<semaphore_mem>>
      %dma_start3A_196 = tpu.memref_slice %arg3[%mul3A_2] : memref<16384xi32, #tpu.memory_space<hbm>> -> memref<512xi32, #tpu.memory_space<hbm>>
      %dma_start3A_197 = tpu.memref_slice %arg3[%mul3A_2] : memref<16384xi32, #tpu.memory_space<hbm>> -> memref<512xi32, #tpu.memory_space<hbm>>
      tpu.enqueue_dma source(%dma_start3A_197 : memref<512xi32, #tpu.memory_space<hbm>>) target(%arg6 : memref<512xi32, #tpu.memory_space<vmem>>) target_semaphore(%run_scoped3A : memref<!tpu.dma_semaphore, #tpu.memory_space<semaphore_mem>>)
      %dma_wait3A_198 = tpu.memref_slice %arg3[%mul3A_2] : memref<16384xi32, #tpu.memory_space<hbm>> -> memref<512xi32, #tpu.memory_space<hbm>>
      %dma_wait3A_199 = tpu.memref_slice %arg3[%mul3A_2] : memref<16384xi32, #tpu.memory_space<hbm>> -> memref<512xi32, #tpu.memory_space<hbm>>
      tpu.wait_dma2 semaphore(%run_scoped3A : memref<!tpu.dma_semaphore, #tpu.memory_space<semaphore_mem>>) src(%dma_wait3A_199 : memref<512xi32, #tpu.memory_space<hbm>>) dst(%arg6 : memref<512xi32, #tpu.memory_space<vmem>>)
      tpu.yield
    }) : () -> ()
    %barrier3A = arith.constant 0 : index
    tpu.barrier barrier_id(%barrier3A)
    %dma_start3A_68 = arith.constant 0 : i32
    %dma_start3A_69 = arith.constant 0 : i32
    %dma_start3A_70 = tpu.memref_slice %arg7[%dma_start3A_68, %dma_start3A_69] : memref<512x128xf32, #tpu.memory_space<vmem>> -> memref<64x128xf32, #tpu.memory_space<vmem>>
    %dma_start3A_71 = arith.constant 0 : i32
    %dma_start3A_72 = tpu.memref_slice %arg6[%dma_start3A_71] : memref<512xi32, #tpu.memory_space<vmem>> -> memref<64xi32, #tpu.memory_space<vmem>>
    %dma_start3A_73 = arith.constant 0 : i32
    %dma_start3A_74 = arith.constant 0 : i32
    %dma_start3A_75 = tpu.memref_slice %arg9[%dma_start3A_73, %dma_start3A_74] : memref<1000x128xf32, #tpu.memory_space<vmem_shared>> -> memref<1000x128xf32, #tpu.memory_space<vmem_shared>>
    tpu.enqueue_indirect_dma source(%dma_start3A_75 : memref<1000x128xf32, #tpu.memory_space<vmem_shared>>) target(%dma_start3A_70 : memref<64x128xf32, #tpu.memory_space<vmem>>) offsets(%dma_start3A_72 : memref<64xi32, #tpu.memory_space<vmem>>) semaphore(%arg10 : memref<!tpu.dma_semaphore, #tpu.memory_space<semaphore_mem>>)
    %dma_start3A_76 = arith.constant 64 : i32
    %dma_start3A_77 = arith.constant 0 : i32
    %dma_start3A_78 = tpu.memref_slice %arg7[%dma_start3A_76, %dma_start3A_77] : memref<512x128xf32, #tpu.memory_space<vmem>> -> memref<64x128xf32, #tpu.memory_space<vmem>>
    %dma_start3A_79 = arith.constant 64 : i32
    %dma_start3A_80 = tpu.memref_slice %arg6[%dma_start3A_79] : memref<512xi32, #tpu.memory_space<vmem>> -> memref<64xi32, #tpu.memory_space<vmem>>
    %dma_start3A_81 = arith.constant 0 : i32
    %dma_start3A_82 = arith.constant 0 : i32
    %dma_start3A_83 = tpu.memref_slice %arg9[%dma_start3A_81, %dma_start3A_82] : memref<1000x128xf32, #tpu.memory_space<vmem_shared>> -> memref<1000x128xf32, #tpu.memory_space<vmem_shared>>
    tpu.enqueue_indirect_dma source(%dma_start3A_83 : memref<1000x128xf32, #tpu.memory_space<vmem_shared>>) target(%dma_start3A_78 : memref<64x128xf32, #tpu.memory_space<vmem>>) offsets(%dma_start3A_80 : memref<64xi32, #tpu.memory_space<vmem>>) semaphore(%arg10 : memref<!tpu.dma_semaphore, #tpu.memory_space<semaphore_mem>>)
    %dma_start3A_84 = arith.constant 128 : i32
    %dma_start3A_85 = arith.constant 0 : i32
    %dma_start3A_86 = tpu.memref_slice %arg7[%dma_start3A_84, %dma_start3A_85] : memref<512x128xf32, #tpu.memory_space<vmem>> -> memref<64x128xf32, #tpu.memory_space<vmem>>
    %dma_start3A_87 = arith.constant 128 : i32
    %dma_start3A_88 = tpu.memref_slice %arg6[%dma_start3A_87] : memref<512xi32, #tpu.memory_space<vmem>> -> memref<64xi32, #tpu.memory_space<vmem>>
    %dma_start3A_89 = arith.constant 0 : i32
    %dma_start3A_90 = arith.constant 0 : i32
    %dma_start3A_91 = tpu.memref_slice %arg9[%dma_start3A_89, %dma_start3A_90] : memref<1000x128xf32, #tpu.memory_space<vmem_shared>> -> memref<1000x128xf32, #tpu.memory_space<vmem_shared>>
    tpu.enqueue_indirect_dma source(%dma_start3A_91 : memref<1000x128xf32, #tpu.memory_space<vmem_shared>>) target(%dma_start3A_86 : memref<64x128xf32, #tpu.memory_space<vmem>>) offsets(%dma_start3A_88 : memref<64xi32, #tpu.memory_space<vmem>>) semaphore(%arg10 : memref<!tpu.dma_semaphore, #tpu.memory_space<semaphore_mem>>)
    %dma_start3A_92 = arith.constant 192 : i32
    %dma_start3A_93 = arith.constant 0 : i32
    %dma_start3A_94 = tpu.memref_slice %arg7[%dma_start3A_92, %dma_start3A_93] : memref<512x128xf32, #tpu.memory_space<vmem>> -> memref<64x128xf32, #tpu.memory_space<vmem>>
    %dma_start3A_95 = arith.constant 192 : i32
    %dma_start3A_96 = tpu.memref_slice %arg6[%dma_start3A_95] : memref<512xi32, #tpu.memory_space<vmem>> -> memref<64xi32, #tpu.memory_space<vmem>>
    %dma_start3A_97 = arith.constant 0 : i32
    %dma_start3A_98 = arith.constant 0 : i32
    %dma_start3A_99 = tpu.memref_slice %arg9[%dma_start3A_97, %dma_start3A_98] : memref<1000x128xf32, #tpu.memory_space<vmem_shared>> -> memref<1000x128xf32, #tpu.memory_space<vmem_shared>>
    tpu.enqueue_indirect_dma source(%dma_start3A_99 : memref<1000x128xf32, #tpu.memory_space<vmem_shared>>) target(%dma_start3A_94 : memref<64x128xf32, #tpu.memory_space<vmem>>) offsets(%dma_start3A_96 : memref<64xi32, #tpu.memory_space<vmem>>) semaphore(%arg10 : memref<!tpu.dma_semaphore, #tpu.memory_space<semaphore_mem>>)
    %dma_start3A_100 = arith.constant 256 : i32
    %dma_start3A_101 = arith.constant 0 : i32
    %dma_start3A_102 = tpu.memref_slice %arg7[%dma_start3A_100, %dma_start3A_101] : memref<512x128xf32, #tpu.memory_space<vmem>> -> memref<64x128xf32, #tpu.memory_space<vmem>>
    %dma_start3A_103 = arith.constant 256 : i32
    %dma_start3A_104 = tpu.memref_slice %arg6[%dma_start3A_103] : memref<512xi32, #tpu.memory_space<vmem>> -> memref<64xi32, #tpu.memory_space<vmem>>
    %dma_start3A_105 = arith.constant 0 : i32
    %dma_start3A_106 = arith.constant 0 : i32
    %dma_start3A_107 = tpu.memref_slice %arg9[%dma_start3A_105, %dma_start3A_106] : memref<1000x128xf32, #tpu.memory_space<vmem_shared>> -> memref<1000x128xf32, #tpu.memory_space<vmem_shared>>
    tpu.enqueue_indirect_dma source(%dma_start3A_107 : memref<1000x128xf32, #tpu.memory_space<vmem_shared>>) target(%dma_start3A_102 : memref<64x128xf32, #tpu.memory_space<vmem>>) offsets(%dma_start3A_104 : memref<64xi32, #tpu.memory_space<vmem>>) semaphore(%arg10 : memref<!tpu.dma_semaphore, #tpu.memory_space<semaphore_mem>>)
    %dma_start3A_108 = arith.constant 320 : i32
    %dma_start3A_109 = arith.constant 0 : i32
    %dma_start3A_110 = tpu.memref_slice %arg7[%dma_start3A_108, %dma_start3A_109] : memref<512x128xf32, #tpu.memory_space<vmem>> -> memref<64x128xf32, #tpu.memory_space<vmem>>
    %dma_start3A_111 = arith.constant 320 : i32
    %dma_start3A_112 = tpu.memref_slice %arg6[%dma_start3A_111] : memref<512xi32, #tpu.memory_space<vmem>> -> memref<64xi32, #tpu.memory_space<vmem>>
    %dma_start3A_113 = arith.constant 0 : i32
    %dma_start3A_114 = arith.constant 0 : i32
    %dma_start3A_115 = tpu.memref_slice %arg9[%dma_start3A_113, %dma_start3A_114] : memref<1000x128xf32, #tpu.memory_space<vmem_shared>> -> memref<1000x128xf32, #tpu.memory_space<vmem_shared>>
    tpu.enqueue_indirect_dma source(%dma_start3A_115 : memref<1000x128xf32, #tpu.memory_space<vmem_shared>>) target(%dma_start3A_110 : memref<64x128xf32, #tpu.memory_space<vmem>>) offsets(%dma_start3A_112 : memref<64xi32, #tpu.memory_space<vmem>>) semaphore(%arg10 : memref<!tpu.dma_semaphore, #tpu.memory_space<semaphore_mem>>)
    %dma_start3A_116 = arith.constant 384 : i32
    %dma_start3A_117 = arith.constant 0 : i32
    %dma_start3A_118 = tpu.memref_slice %arg7[%dma_start3A_116, %dma_start3A_117] : memref<512x128xf32, #tpu.memory_space<vmem>> -> memref<64x128xf32, #tpu.memory_space<vmem>>
    %dma_start3A_119 = arith.constant 384 : i32
    %dma_start3A_120 = tpu.memref_slice %arg6[%dma_start3A_119] : memref<512xi32, #tpu.memory_space<vmem>> -> memref<64xi32, #tpu.memory_space<vmem>>
    %dma_start3A_121 = arith.constant 0 : i32
    %dma_start3A_122 = arith.constant 0 : i32
    %dma_start3A_123 = tpu.memref_slice %arg9[%dma_start3A_121, %dma_start3A_122] : memref<1000x128xf32, #tpu.memory_space<vmem_shared>> -> memref<1000x128xf32, #tpu.memory_space<vmem_shared>>
    tpu.enqueue_indirect_dma source(%dma_start3A_123 : memref<1000x128xf32, #tpu.memory_space<vmem_shared>>) target(%dma_start3A_118 : memref<64x128xf32, #tpu.memory_space<vmem>>) offsets(%dma_start3A_120 : memref<64xi32, #tpu.memory_space<vmem>>) semaphore(%arg10 : memref<!tpu.dma_semaphore, #tpu.memory_space<semaphore_mem>>)
    %dma_start3A_124 = arith.constant 448 : i32
    %dma_start3A_125 = arith.constant 0 : i32
    %dma_start3A_126 = tpu.memref_slice %arg7[%dma_start3A_124, %dma_start3A_125] : memref<512x128xf32, #tpu.memory_space<vmem>> -> memref<64x128xf32, #tpu.memory_space<vmem>>
    %dma_start3A_127 = arith.constant 448 : i32
    %dma_start3A_128 = tpu.memref_slice %arg6[%dma_start3A_127] : memref<512xi32, #tpu.memory_space<vmem>> -> memref<64xi32, #tpu.memory_space<vmem>>
    %dma_start3A_129 = arith.constant 0 : i32
    %dma_start3A_130 = arith.constant 0 : i32
    %dma_start3A_131 = tpu.memref_slice %arg9[%dma_start3A_129, %dma_start3A_130] : memref<1000x128xf32, #tpu.memory_space<vmem_shared>> -> memref<1000x128xf32, #tpu.memory_space<vmem_shared>>
    tpu.enqueue_indirect_dma source(%dma_start3A_131 : memref<1000x128xf32, #tpu.memory_space<vmem_shared>>) target(%dma_start3A_126 : memref<64x128xf32, #tpu.memory_space<vmem>>) offsets(%dma_start3A_128 : memref<64xi32, #tpu.memory_space<vmem>>) semaphore(%arg10 : memref<!tpu.dma_semaphore, #tpu.memory_space<semaphore_mem>>)
    %scan3A = arith.constant 0 : i32
    %scan3A_132 = arith.constant 0 : i32
    %scan3A_133 = arith.constant 8 : i32
    %scan3A_134 = arith.addi %scan3A_132, %scan3A_133 : i32
    %scan3A_135 = arith.constant 1 : i32
    scf.for %scan3A_196 = %scan3A_132 to %scan3A_134 step %scan3A_135  : i32 {
      %rem3A = arith.constant 6 : i32
      %rem3A_197 = arith.remsi %scan3A_196, %rem3A : i32
      %mul3A_198 = arith.constant 64 : i32
      %mul3A_199 = arith.muli %rem3A_197, %mul3A_198 : i32
      %multiple_of3A = tpu.assume_multiple %mul3A_199, 64 : i32
      %mul3A_200 = arith.constant 64 : i32
      %mul3A_201 = arith.muli %scan3A_196, %mul3A_200 : i32
      %multiple_of3A_202 = tpu.assume_multiple %mul3A_201, 64 : i32
      %dma_wait3A_203 = arith.constant 0 : i32
      %dma_wait3A_204 = tpu.memref_slice %arg7[%multiple_of3A_202, %dma_wait3A_203] : memref<512x128xf32, #tpu.memory_space<vmem>> -> memref<64x128xf32, #tpu.memory_space<vmem>>
      %dma_wait3A_205 = tpu.memref_slice %arg6[%multiple_of3A_202] : memref<512xi32, #tpu.memory_space<vmem>> -> memref<64xi32, #tpu.memory_space<vmem>>
      %dma_wait3A_206 = arith.constant 0 : i32
      %dma_wait3A_207 = arith.constant 0 : i32
      %dma_wait3A_208 = tpu.memref_slice %arg9[%dma_wait3A_206, %dma_wait3A_207] : memref<1000x128xf32, #tpu.memory_space<vmem_shared>> -> memref<1000x128xf32, #tpu.memory_space<vmem_shared>>
      tpu.wait_indirect_dma semaphore(%arg10 : memref<!tpu.dma_semaphore, #tpu.memory_space<semaphore_mem>>) src(%dma_wait3A_208 : memref<1000x128xf32, #tpu.memory_space<vmem_shared>>) dst(%dma_wait3A_204 : memref<64x128xf32, #tpu.memory_space<vmem>>)
      %dma_wait3A_209 = arith.constant 0 : i32
      %dma_wait3A_210 = tpu.memref_slice %arg8[%multiple_of3A, %dma_wait3A_209] : memref<384x128xf32, #tpu.memory_space<vmem>> -> memref<64x128xf32, #tpu.memory_space<vmem>>
      %dma_wait3A_211 = arith.constant 0 : i32
      %dma_wait3A_212 = tpu.memref_slice %arg2[%mul3A_2, %dma_wait3A_211] : memref<16384x128xf32, #tpu.memory_space<hbm>> -> memref<64x128xf32, #tpu.memory_space<hbm>>
      %dma_wait3A_213 = arith.constant 0 : i32
      %dma_wait3A_214 = tpu.memref_slice %arg8[%multiple_of3A, %dma_wait3A_213] : memref<384x128xf32, #tpu.memory_space<vmem>> -> memref<64x128xf32, #tpu.memory_space<vmem>>
      %dma_wait3A_215 = arith.constant 0 : i32
      %dma_wait3A_216 = tpu.memref_slice %arg2[%mul3A_2, %dma_wait3A_215] : memref<16384x128xf32, #tpu.memory_space<hbm>> -> memref<64x128xf32, #tpu.memory_space<hbm>>
      tpu.wait_dma2 semaphore(%arg11 : memref<!tpu.dma_semaphore, #tpu.memory_space<semaphore_mem>>) src(%dma_wait3A_216 : memref<64x128xf32, #tpu.memory_space<hbm>>) dst(%dma_wait3A_214 : memref<64x128xf32, #tpu.memory_space<vmem>>)
      %parallel_loop3A = arith.constant 0 : i32
      %parallel_loop3A_217 = arith.constant 64 : i32
      %parallel_loop3A_218 = arith.constant 1 : i32
      scf.for %parallel_loop3A_245 = %parallel_loop3A to %parallel_loop3A_217 step %parallel_loop3A_218  : i32 {
        %parallel_loop3A_246 = arith.addi %multiple_of3A, %parallel_loop3A_245 : i32
        %parallel_loop3A_247 = arith.index_cast %parallel_loop3A_246 : i32 to index
        %parallel_loop3A_248 = arith.constant 0 : index
        %parallel_loop3A_249 = tpu.vector_load %arg8[%parallel_loop3A_247, %parallel_loop3A_248] {strides = array<i32>} : memref<384x128xf32, #tpu.memory_space<vmem>>, vector<1x16xf32>,
        %parallel_loop3A_250 = vector.shape_cast %parallel_loop3A_249 : vector<1x16xf32> to vector<16xf32>
        %parallel_loop3A_251 = arith.addi %multiple_of3A_202, %parallel_loop3A_245 : i32
        %parallel_loop3A_252 = arith.index_cast %parallel_loop3A_251 : i32 to index
        %parallel_loop3A_253 = arith.constant 0 : index
        %parallel_loop3A_254 = tpu.vector_load %arg7[%parallel_loop3A_252, %parallel_loop3A_253] {strides = array<i32>} : memref<512x128xf32, #tpu.memory_space<vmem>>, vector<1x16xf32>,
        %parallel_loop3A_255 = vector.shape_cast %parallel_loop3A_254 : vector<1x16xf32> to vector<16xf32>
        %parallel_loop3A_256 = arith.mulf %parallel_loop3A_250, %parallel_loop3A_255 : vector<16xf32>
        %parallel_loop3A_257 = arith.addi %multiple_of3A, %parallel_loop3A_245 : i32
        %parallel_loop3A_258 = arith.index_cast %parallel_loop3A_257 : i32 to index
        %parallel_loop3A_259 = arith.constant 0 : index
        %parallel_loop3A_260 = tpu.vector_load %arg8[%parallel_loop3A_258, %parallel_loop3A_259] {strides = array<i32>} : memref<384x128xf32, #tpu.memory_space<vmem>>, vector<1x16xf32>,
        %parallel_loop3A_261 = vector.shape_cast %parallel_loop3A_260 : vector<1x16xf32> to vector<16xf32>
        %parallel_loop3A_262 = vector.shape_cast %parallel_loop3A_256 : vector<16xf32> to vector<1x16xf32>
        tpu.vector_store %arg8[%parallel_loop3A_258, %parallel_loop3A_259], %parallel_loop3A_262 {strides = array<i32>} : memref<384x128xf32, #tpu.memory_space<vmem>>, vector<1x16xf32>,
        %parallel_loop3A_263 = arith.addi %multiple_of3A, %parallel_loop3A_245 : i32
        %parallel_loop3A_264 = arith.index_cast %parallel_loop3A_263 : i32 to index
        %parallel_loop3A_265 = arith.constant 16 : index
        %parallel_loop3A_266 = tpu.vector_load %arg8[%parallel_loop3A_264, %parallel_loop3A_265] {strides = array<i32>} : memref<384x128xf32, #tpu.memory_space<vmem>>, vector<1x16xf32>,
        %parallel_loop3A_267 = vector.shape_cast %parallel_loop3A_266 : vector<1x16xf32> to vector<16xf32>
        %parallel_loop3A_268 = arith.addi %multiple_of3A_202, %parallel_loop3A_245 : i32
        %parallel_loop3A_269 = arith.index_cast %parallel_loop3A_268 : i32 to index
        %parallel_loop3A_270 = arith.constant 16 : index
        %parallel_loop3A_271 = tpu.vector_load %arg7[%parallel_loop3A_269, %parallel_loop3A_270] {strides = array<i32>} : memref<512x128xf32, #tpu.memory_space<vmem>>, vector<1x16xf32>,
        %parallel_loop3A_272 = vector.shape_cast %parallel_loop3A_271 : vector<1x16xf32> to vector<16xf32>
        %parallel_loop3A_273 = arith.mulf %parallel_loop3A_267, %parallel_loop3A_272 : vector<16xf32>
        %parallel_loop3A_274 = arith.addi %multiple_of3A, %parallel_loop3A_245 : i32
        %parallel_loop3A_275 = arith.index_cast %parallel_loop3A_274 : i32 to index
        %parallel_loop3A_276 = arith.constant 16 : index
        %parallel_loop3A_277 = tpu.vector_load %arg8[%parallel_loop3A_275, %parallel_loop3A_276] {strides = array<i32>} : memref<384x128xf32, #tpu.memory_space<vmem>>, vector<1x16xf32>,
        %parallel_loop3A_278 = vector.shape_cast %parallel_loop3A_277 : vector<1x16xf32> to vector<16xf32>
        %parallel_loop3A_279 = vector.shape_cast %parallel_loop3A_273 : vector<16xf32> to vector<1x16xf32>
        tpu.vector_store %arg8[%parallel_loop3A_275, %parallel_loop3A_276], %parallel_loop3A_279 {strides = array<i32>} : memref<384x128xf32, #tpu.memory_space<vmem>>, vector<1x16xf32>,
        %parallel_loop3A_280 = arith.addi %multiple_of3A, %parallel_loop3A_245 : i32
        %parallel_loop3A_281 = arith.index_cast %parallel_loop3A_280 : i32 to index
        %parallel_loop3A_282 = arith.constant 32 : index
        %parallel_loop3A_283 = tpu.vector_load %arg8[%parallel_loop3A_281, %parallel_loop3A_282] {strides = array<i32>} : memref<384x128xf32, #tpu.memory_space<vmem>>, vector<1x16xf32>,
        %parallel_loop3A_284 = vector.shape_cast %parallel_loop3A_283 : vector<1x16xf32> to vector<16xf32>
        %parallel_loop3A_285 = arith.addi %multiple_of3A_202, %parallel_loop3A_245 : i32
        %parallel_loop3A_286 = arith.index_cast %parallel_loop3A_285 : i32 to index
        %parallel_loop3A_287 = arith.constant 32 : index
        %parallel_loop3A_288 = tpu.vector_load %arg7[%parallel_loop3A_286, %parallel_loop3A_287] {strides = array<i32>} : memref<512x128xf32, #tpu.memory_space<vmem>>, vector<1x16xf32>,
        %parallel_loop3A_289 = vector.shape_cast %parallel_loop3A_288 : vector<1x16xf32> to vector<16xf32>
        %parallel_loop3A_290 = arith.mulf %parallel_loop3A_284, %parallel_loop3A_289 : vector<16xf32>
        %parallel_loop3A_291 = arith.addi %multiple_of3A, %parallel_loop3A_245 : i32
        %parallel_loop3A_292 = arith.index_cast %parallel_loop3A_291 : i32 to index
        %parallel_loop3A_293 = arith.constant 32 : index
        %parallel_loop3A_294 = tpu.vector_load %arg8[%parallel_loop3A_292, %parallel_loop3A_293] {strides = array<i32>} : memref<384x128xf32, #tpu.memory_space<vmem>>, vector<1x16xf32>,
        %parallel_loop3A_295 = vector.shape_cast %parallel_loop3A_294 : vector<1x16xf32> to vector<16xf32>
        %parallel_loop3A_296 = vector.shape_cast %parallel_loop3A_290 : vector<16xf32> to vector<1x16xf32>
        tpu.vector_store %arg8[%parallel_loop3A_292, %parallel_loop3A_293], %parallel_loop3A_296 {strides = array<i32>} : memref<384x128xf32, #tpu.memory_space<vmem>>, vector<1x16xf32>,
        %parallel_loop3A_297 = arith.addi %multiple_of3A, %parallel_loop3A_245 : i32
        %parallel_loop3A_298 = arith.index_cast %parallel_loop3A_297 : i32 to index
        %parallel_loop3A_299 = arith.constant 48 : index
        %parallel_loop3A_300 = tpu.vector_load %arg8[%parallel_loop3A_298, %parallel_loop3A_299] {strides = array<i32>} : memref<384x128xf32, #tpu.memory_space<vmem>>, vector<1x16xf32>,
        %parallel_loop3A_301 = vector.shape_cast %parallel_loop3A_300 : vector<1x16xf32> to vector<16xf32>
        %parallel_loop3A_302 = arith.addi %multiple_of3A_202, %parallel_loop3A_245 : i32
        %parallel_loop3A_303 = arith.index_cast %parallel_loop3A_302 : i32 to index
        %parallel_loop3A_304 = arith.constant 48 : index
        %parallel_loop3A_305 = tpu.vector_load %arg7[%parallel_loop3A_303, %parallel_loop3A_304] {strides = array<i32>} : memref<512x128xf32, #tpu.memory_space<vmem>>, vector<1x16xf32>,
        %parallel_loop3A_306 = vector.shape_cast %parallel_loop3A_305 : vector<1x16xf32> to vector<16xf32>
        %parallel_loop3A_307 = arith.mulf %parallel_loop3A_301, %parallel_loop3A_306 : vector<16xf32>
        %parallel_loop3A_308 = arith.addi %multiple_of3A, %parallel_loop3A_245 : i32
        %parallel_loop3A_309 = arith.index_cast %parallel_loop3A_308 : i32 to index
        %parallel_loop3A_310 = arith.constant 48 : index
        %parallel_loop3A_311 = tpu.vector_load %arg8[%parallel_loop3A_309, %parallel_loop3A_310] {strides = array<i32>} : memref<384x128xf32, #tpu.memory_space<vmem>>, vector<1x16xf32>,
        %parallel_loop3A_312 = vector.shape_cast %parallel_loop3A_311 : vector<1x16xf32> to vector<16xf32>
        %parallel_loop3A_313 = vector.shape_cast %parallel_loop3A_307 : vector<16xf32> to vector<1x16xf32>
        tpu.vector_store %arg8[%parallel_loop3A_309, %parallel_loop3A_310], %parallel_loop3A_313 {strides = array<i32>} : memref<384x128xf32, #tpu.memory_space<vmem>>, vector<1x16xf32>,
        %parallel_loop3A_314 = arith.addi %multiple_of3A, %parallel_loop3A_245 : i32
        %parallel_loop3A_315 = arith.index_cast %parallel_loop3A_314 : i32 to index
        %parallel_loop3A_316 = arith.constant 64 : index
        %parallel_loop3A_317 = tpu.vector_load %arg8[%parallel_loop3A_315, %parallel_loop3A_316] {strides = array<i32>} : memref<384x128xf32, #tpu.memory_space<vmem>>, vector<1x16xf32>,
        %parallel_loop3A_318 = vector.shape_cast %parallel_loop3A_317 : vector<1x16xf32> to vector<16xf32>
        %parallel_loop3A_319 = arith.addi %multiple_of3A_202, %parallel_loop3A_245 : i32
        %parallel_loop3A_320 = arith.index_cast %parallel_loop3A_319 : i32 to index
        %parallel_loop3A_321 = arith.constant 64 : index
        %parallel_loop3A_322 = tpu.vector_load %arg7[%parallel_loop3A_320, %parallel_loop3A_321] {strides = array<i32>} : memref<512x128xf32, #tpu.memory_space<vmem>>, vector<1x16xf32>,
        %parallel_loop3A_323 = vector.shape_cast %parallel_loop3A_322 : vector<1x16xf32> to vector<16xf32>
        %parallel_loop3A_324 = arith.mulf %parallel_loop3A_318, %parallel_loop3A_323 : vector<16xf32>
        %parallel_loop3A_325 = arith.addi %multiple_of3A, %parallel_loop3A_245 : i32
        %parallel_loop3A_326 = arith.index_cast %parallel_loop3A_325 : i32 to index
        %parallel_loop3A_327 = arith.constant 64 : index
        %parallel_loop3A_328 = tpu.vector_load %arg8[%parallel_loop3A_326, %parallel_loop3A_327] {strides = array<i32>} : memref<384x128xf32, #tpu.memory_space<vmem>>, vector<1x16xf32>,
        %parallel_loop3A_329 = vector.shape_cast %parallel_loop3A_328 : vector<1x16xf32> to vector<16xf32>
        %parallel_loop3A_330 = vector.shape_cast %parallel_loop3A_324 : vector<16xf32> to vector<1x16xf32>
        tpu.vector_store %arg8[%parallel_loop3A_326, %parallel_loop3A_327], %parallel_loop3A_330 {strides = array<i32>} : memref<384x128xf32, #tpu.memory_space<vmem>>, vector<1x16xf32>,
        %parallel_loop3A_331 = arith.addi %multiple_of3A, %parallel_loop3A_245 : i32
        %parallel_loop3A_332 = arith.index_cast %parallel_loop3A_331 : i32 to index
        %parallel_loop3A_333 = arith.constant 80 : index
        %parallel_loop3A_334 = tpu.vector_load %arg8[%parallel_loop3A_332, %parallel_loop3A_333] {strides = array<i32>} : memref<384x128xf32, #tpu.memory_space<vmem>>, vector<1x16xf32>,
        %parallel_loop3A_335 = vector.shape_cast %parallel_loop3A_334 : vector<1x16xf32> to vector<16xf32>
        %parallel_loop3A_336 = arith.addi %multiple_of3A_202, %parallel_loop3A_245 : i32
        %parallel_loop3A_337 = arith.index_cast %parallel_loop3A_336 : i32 to index
        %parallel_loop3A_338 = arith.constant 80 : index
        %parallel_loop3A_339 = tpu.vector_load %arg7[%parallel_loop3A_337, %parallel_loop3A_338] {strides = array<i32>} : memref<512x128xf32, #tpu.memory_space<vmem>>, vector<1x16xf32>,
        %parallel_loop3A_340 = vector.shape_cast %parallel_loop3A_339 : vector<1x16xf32> to vector<16xf32>
        %parallel_loop3A_341 = arith.mulf %parallel_loop3A_335, %parallel_loop3A_340 : vector<16xf32>
        %parallel_loop3A_342 = arith.addi %multiple_of3A, %parallel_loop3A_245 : i32
        %parallel_loop3A_343 = arith.index_cast %parallel_loop3A_342 : i32 to index
        %parallel_loop3A_344 = arith.constant 80 : index
        %parallel_loop3A_345 = tpu.vector_load %arg8[%parallel_loop3A_343, %parallel_loop3A_344] {strides = array<i32>} : memref<384x128xf32, #tpu.memory_space<vmem>>, vector<1x16xf32>,
        %parallel_loop3A_346 = vector.shape_cast %parallel_loop3A_345 : vector<1x16xf32> to vector<16xf32>
        %parallel_loop3A_347 = vector.shape_cast %parallel_loop3A_341 : vector<16xf32> to vector<1x16xf32>
        tpu.vector_store %arg8[%parallel_loop3A_343, %parallel_loop3A_344], %parallel_loop3A_347 {strides = array<i32>} : memref<384x128xf32, #tpu.memory_space<vmem>>, vector<1x16xf32>,
        %parallel_loop3A_348 = arith.addi %multiple_of3A, %parallel_loop3A_245 : i32
        %parallel_loop3A_349 = arith.index_cast %parallel_loop3A_348 : i32 to index
        %parallel_loop3A_350 = arith.constant 96 : index
        %parallel_loop3A_351 = tpu.vector_load %arg8[%parallel_loop3A_349, %parallel_loop3A_350] {strides = array<i32>} : memref<384x128xf32, #tpu.memory_space<vmem>>, vector<1x16xf32>,
        %parallel_loop3A_352 = vector.shape_cast %parallel_loop3A_351 : vector<1x16xf32> to vector<16xf32>
        %parallel_loop3A_353 = arith.addi %multiple_of3A_202, %parallel_loop3A_245 : i32
        %parallel_loop3A_354 = arith.index_cast %parallel_loop3A_353 : i32 to index
        %parallel_loop3A_355 = arith.constant 96 : index
        %parallel_loop3A_356 = tpu.vector_load %arg7[%parallel_loop3A_354, %parallel_loop3A_355] {strides = array<i32>} : memref<512x128xf32, #tpu.memory_space<vmem>>, vector<1x16xf32>,
        %parallel_loop3A_357 = vector.shape_cast %parallel_loop3A_356 : vector<1x16xf32> to vector<16xf32>
        %parallel_loop3A_358 = arith.mulf %parallel_loop3A_352, %parallel_loop3A_357 : vector<16xf32>
        %parallel_loop3A_359 = arith.addi %multiple_of3A, %parallel_loop3A_245 : i32
        %parallel_loop3A_360 = arith.index_cast %parallel_loop3A_359 : i32 to index
        %parallel_loop3A_361 = arith.constant 96 : index
        %parallel_loop3A_362 = tpu.vector_load %arg8[%parallel_loop3A_360, %parallel_loop3A_361] {strides = array<i32>} : memref<384x128xf32, #tpu.memory_space<vmem>>, vector<1x16xf32>,
        %parallel_loop3A_363 = vector.shape_cast %parallel_loop3A_362 : vector<1x16xf32> to vector<16xf32>
        %parallel_loop3A_364 = vector.shape_cast %parallel_loop3A_358 : vector<16xf32> to vector<1x16xf32>
        tpu.vector_store %arg8[%parallel_loop3A_360, %parallel_loop3A_361], %parallel_loop3A_364 {strides = array<i32>} : memref<384x128xf32, #tpu.memory_space<vmem>>, vector<1x16xf32>,
        %parallel_loop3A_365 = arith.addi %multiple_of3A, %parallel_loop3A_245 : i32
        %parallel_loop3A_366 = arith.index_cast %parallel_loop3A_365 : i32 to index
        %parallel_loop3A_367 = arith.constant 112 : index
        %parallel_loop3A_368 = tpu.vector_load %arg8[%parallel_loop3A_366, %parallel_loop3A_367] {strides = array<i32>} : memref<384x128xf32, #tpu.memory_space<vmem>>, vector<1x16xf32>,
        %parallel_loop3A_369 = vector.shape_cast %parallel_loop3A_368 : vector<1x16xf32> to vector<16xf32>
        %parallel_loop3A_370 = arith.addi %multiple_of3A_202, %parallel_loop3A_245 : i32
        %parallel_loop3A_371 = arith.index_cast %parallel_loop3A_370 : i32 to index
        %parallel_loop3A_372 = arith.constant 112 : index
        %parallel_loop3A_373 = tpu.vector_load %arg7[%parallel_loop3A_371, %parallel_loop3A_372] {strides = array<i32>} : memref<512x128xf32, #tpu.memory_space<vmem>>, vector<1x16xf32>,
        %parallel_loop3A_374 = vector.shape_cast %parallel_loop3A_373 : vector<1x16xf32> to vector<16xf32>
        %parallel_loop3A_375 = arith.mulf %parallel_loop3A_369, %parallel_loop3A_374 : vector<16xf32>
        %parallel_loop3A_376 = arith.addi %multiple_of3A, %parallel_loop3A_245 : i32
        %parallel_loop3A_377 = arith.index_cast %parallel_loop3A_376 : i32 to index
        %parallel_loop3A_378 = arith.constant 112 : index
        %parallel_loop3A_379 = tpu.vector_load %arg8[%parallel_loop3A_377, %parallel_loop3A_378] {strides = array<i32>} : memref<384x128xf32, #tpu.memory_space<vmem>>, vector<1x16xf32>,
        %parallel_loop3A_380 = vector.shape_cast %parallel_loop3A_379 : vector<1x16xf32> to vector<16xf32>
        %parallel_loop3A_381 = vector.shape_cast %parallel_loop3A_375 : vector<16xf32> to vector<1x16xf32>
        tpu.vector_store %arg8[%parallel_loop3A_377, %parallel_loop3A_378], %parallel_loop3A_381 {strides = array<i32>} : memref<384x128xf32, #tpu.memory_space<vmem>>, vector<1x16xf32>,
      } {sc.loop_unroll_factor = 4 : i64, sc.parallel_access}
      %ge3A = arith.constant 1 : i32
      %ge3A_219 = arith.cmpi sge, %scan3A_196, %ge3A : i32
      %add3A_220 = arith.constant 5 : i32
      %add3A_221 = arith.addi %scan3A_196, %add3A_220 : i32
      %lt3A_222 = arith.constant 8 : i32
      %lt3A_223 = arith.cmpi slt, %add3A_221, %lt3A_222 : i32
      %and3A = arith.andi %ge3A_219, %lt3A_223 : i1
      %convert_element_type3A_224 = arith.extui %and3A : i1 to i32
      %cond3A_225 = arith.constant 0 : i32
      %cond3A_226 = arith.cmpi ne, %convert_element_type3A_224, %cond3A_225 : i32
      scf.if %cond3A_226 {
        %dma_wait3A_245 = arith.constant 0 : i32
        %dma_wait3A_246 = arith.constant 0 : i32
        %dma_wait3A_247 = tpu.memref_slice %arg8[%dma_wait3A_245, %dma_wait3A_246] : memref<384x128xf32, #tpu.memory_space<vmem>> -> memref<64x128xf32, #tpu.memory_space<vmem>>
        %dma_wait3A_248 = arith.constant 0 : i32
        %dma_wait3A_249 = tpu.memref_slice %arg5[%mul3A_2, %dma_wait3A_248] : memref<16384x128xf32, #tpu.memory_space<hbm>> -> memref<64x128xf32, #tpu.memory_space<hbm>>
        %dma_wait3A_250 = arith.constant 0 : i32
        %dma_wait3A_251 = tpu.memref_slice %arg5[%mul3A_2, %dma_wait3A_250] : memref<16384x128xf32, #tpu.memory_space<hbm>> -> memref<64x128xf32, #tpu.memory_space<hbm>>
        %dma_wait3A_252 = arith.constant 0 : i32
        %dma_wait3A_253 = arith.constant 0 : i32
        %dma_wait3A_254 = tpu.memref_slice %arg8[%dma_wait3A_252, %dma_wait3A_253] : memref<384x128xf32, #tpu.memory_space<vmem>> -> memref<64x128xf32, #tpu.memory_space<vmem>>
        tpu.wait_dma2 semaphore(%arg12 : memref<!tpu.dma_semaphore, #tpu.memory_space<semaphore_mem>>) src(%dma_wait3A_254 : memref<64x128xf32, #tpu.memory_space<vmem>>) dst(%dma_wait3A_251 : memref<64x128xf32, #tpu.memory_space<hbm>>)
      } else {
      }
      %add3A_227 = arith.constant 5 : i32
      %add3A_228 = arith.addi %scan3A_196, %add3A_227 : i32
      %lt3A_229 = arith.constant 8 : i32
      %lt3A_230 = arith.cmpi slt, %add3A_228, %lt3A_229 : i32
      %convert_element_type3A_231 = arith.extui %lt3A_230 : i1 to i32
      %cond3A_232 = arith.constant 0 : i32
      %cond3A_233 = arith.cmpi ne, %convert_element_type3A_231, %cond3A_232 : i32
      scf.if %cond3A_233 {
        %add3A_245 = arith.constant 5 : i32
        %add3A_246 = arith.addi %scan3A_196, %add3A_245 : i32
        %rem3A_247 = arith.constant 6 : i32
        %rem3A_248 = arith.remsi %add3A_246, %rem3A_247 : i32
        %mul3A_249 = arith.constant 64 : i32
        %mul3A_250 = arith.muli %rem3A_248, %mul3A_249 : i32
        %multiple_of3A_251 = tpu.assume_multiple %mul3A_250, 64 : i32
        %add3A_252 = arith.constant 5 : i32
        %add3A_253 = arith.addi %scan3A_196, %add3A_252 : i32
        %mul3A_254 = arith.constant 64 : i32
        %mul3A_255 = arith.muli %add3A_253, %mul3A_254 : i32
        %add3A_256 = arith.addi %mul3A_2, %mul3A_255 : i32
        %dma_start3A_257 = arith.constant 0 : i32
        %dma_start3A_258 = tpu.memref_slice %arg8[%multiple_of3A_251, %dma_start3A_257] : memref<384x128xf32, #tpu.memory_space<vmem>> -> memref<64x128xf32, #tpu.memory_space<vmem>>
        %dma_start3A_259 = arith.constant 0 : i32
        %dma_start3A_260 = tpu.memref_slice %arg2[%add3A_256, %dma_start3A_259] : memref<16384x128xf32, #tpu.memory_space<hbm>> -> memref<64x128xf32, #tpu.memory_space<hbm>>
        %dma_start3A_261 = arith.constant 0 : i32
        %dma_start3A_262 = tpu.memref_slice %arg8[%multiple_of3A_251, %dma_start3A_261] : memref<384x128xf32, #tpu.memory_space<vmem>> -> memref<64x128xf32, #tpu.memory_space<vmem>>
        %dma_start3A_263 = arith.constant 0 : i32
        %dma_start3A_264 = tpu.memref_slice %arg2[%add3A_256, %dma_start3A_263] : memref<16384x128xf32, #tpu.memory_space<hbm>> -> memref<64x128xf32, #tpu.memory_space<hbm>>
        tpu.enqueue_dma source(%dma_start3A_264 : memref<64x128xf32, #tpu.memory_space<hbm>>) target(%dma_start3A_262 : memref<64x128xf32, #tpu.memory_space<vmem>>) target_semaphore(%arg11 : memref<!tpu.dma_semaphore, #tpu.memory_space<semaphore_mem>>)
      } else {
      }
      %mul3A_234 = arith.constant 64 : i32
      %mul3A_235 = arith.muli %scan3A_196, %mul3A_234 : i32
      %add3A_236 = arith.addi %mul3A_2, %mul3A_235 : i32
      %dma_start3A_237 = arith.constant 0 : i32
      %dma_start3A_238 = tpu.memref_slice %arg8[%multiple_of3A, %dma_start3A_237] : memref<384x128xf32, #tpu.memory_space<vmem>> -> memref<64x128xf32, #tpu.memory_space<vmem>>
      %dma_start3A_239 = arith.constant 0 : i32
      %dma_start3A_240 = tpu.memref_slice %arg5[%add3A_236, %dma_start3A_239] : memref<16384x128xf32, #tpu.memory_space<hbm>> -> memref<64x128xf32, #tpu.memory_space<hbm>>
      %dma_start3A_241 = arith.constant 0 : i32
      %dma_start3A_242 = tpu.memref_slice %arg5[%add3A_236, %dma_start3A_241] : memref<16384x128xf32, #tpu.memory_space<hbm>> -> memref<64x128xf32, #tpu.memory_space<hbm>>
      %dma_start3A_243 = arith.constant 0 : i32
      %dma_start3A_244 = tpu.memref_slice %arg8[%multiple_of3A, %dma_start3A_243] : memref<384x128xf32, #tpu.memory_space<vmem>> -> memref<64x128xf32, #tpu.memory_space<vmem>>
      tpu.enqueue_dma source(%dma_start3A_244 : memref<64x128xf32, #tpu.memory_space<vmem>>) target(%dma_start3A_242 : memref<64x128xf32, #tpu.memory_space<hbm>>) target_semaphore(%arg12 : memref<!tpu.dma_semaphore, #tpu.memory_space<semaphore_mem>>)
    }
    %scan3A_136 = arith.constant 8 : i32
    %dma_wait3A = arith.constant 0 : i32
    %dma_wait3A_137 = arith.constant 0 : i32
    %dma_wait3A_138 = tpu.memref_slice %arg8[%dma_wait3A, %dma_wait3A_137] : memref<384x128xf32, #tpu.memory_space<vmem>> -> memref<64x128xf32, #tpu.memory_space<vmem>>
    %dma_wait3A_139 = arith.constant 0 : i32
    %dma_wait3A_140 = tpu.memref_slice %arg5[%mul3A_2, %dma_wait3A_139] : memref<16384x128xf32, #tpu.memory_space<hbm>> -> memref<64x128xf32, #tpu.memory_space<hbm>>
    %dma_wait3A_141 = arith.constant 0 : i32
    %dma_wait3A_142 = tpu.memref_slice %arg5[%mul3A_2, %dma_wait3A_141] : memref<16384x128xf32, #tpu.memory_space<hbm>> -> memref<64x128xf32, #tpu.memory_space<hbm>>
    %dma_wait3A_143 = arith.constant 0 : i32
    %dma_wait3A_144 = arith.constant 0 : i32
    %dma_wait3A_145 = tpu.memref_slice %arg8[%dma_wait3A_143, %dma_wait3A_144] : memref<384x128xf32, #tpu.memory_space<vmem>> -> memref<64x128xf32, #tpu.memory_space<vmem>>
    tpu.wait_dma2 semaphore(%arg12 : memref<!tpu.dma_semaphore, #tpu.memory_space<semaphore_mem>>) src(%dma_wait3A_145 : memref<64x128xf32, #tpu.memory_space<vmem>>) dst(%dma_wait3A_142 : memref<64x128xf32, #tpu.memory_space<hbm>>)
    %dma_wait3A_146 = arith.constant 0 : i32
    %dma_wait3A_147 = arith.constant 0 : i32
    %dma_wait3A_148 = tpu.memref_slice %arg8[%dma_wait3A_146, %dma_wait3A_147] : memref<384x128xf32, #tpu.memory_space<vmem>> -> memref<64x128xf32, #tpu.memory_space<vmem>>
    %dma_wait3A_149 = arith.constant 0 : i32
    %dma_wait3A_150 = tpu.memref_slice %arg5[%mul3A_2, %dma_wait3A_149] : memref<16384x128xf32, #tpu.memory_space<hbm>> -> memref<64x128xf32, #tpu.memory_space<hbm>>
    %dma_wait3A_151 = arith.constant 0 : i32
    %dma_wait3A_152 = tpu.memref_slice %arg5[%mul3A_2, %dma_wait3A_151] : memref<16384x128xf32, #tpu.memory_space<hbm>> -> memref<64x128xf32, #tpu.memory_space<hbm>>
    %dma_wait3A_153 = arith.constant 0 : i32
    %dma_wait3A_154 = arith.constant 0 : i32
    %dma_wait3A_155 = tpu.memref_slice %arg8[%dma_wait3A_153, %dma_wait3A_154] : memref<384x128xf32, #tpu.memory_space<vmem>> -> memref<64x128xf32, #tpu.memory_space<vmem>>
    tpu.wait_dma2 semaphore(%arg12 : memref<!tpu.dma_semaphore, #tpu.memory_space<semaphore_mem>>) src(%dma_wait3A_155 : memref<64x128xf32, #tpu.memory_space<vmem>>) dst(%dma_wait3A_152 : memref<64x128xf32, #tpu.memory_space<hbm>>)
    %dma_wait3A_156 = arith.constant 0 : i32
    %dma_wait3A_157 = arith.constant 0 : i32
    %dma_wait3A_158 = tpu.memref_slice %arg8[%dma_wait3A_156, %dma_wait3A_157] : memref<384x128xf32, #tpu.memory_space<vmem>> -> memref<64x128xf32, #tpu.memory_space<vmem>>
    %dma_wait3A_159 = arith.constant 0 : i32
    %dma_wait3A_160 = tpu.memref_slice %arg5[%mul3A_2, %dma_wait3A_159] : memref<16384x128xf32, #tpu.memory_space<hbm>> -> memref<64x128xf32, #tpu.memory_space<hbm>>
    %dma_wait3A_161 = arith.constant 0 : i32
    %dma_wait3A_162 = tpu.memref_slice %arg5[%mul3A_2, %dma_wait3A_161] : memref<16384x128xf32, #tpu.memory_space<hbm>> -> memref<64x128xf32, #tpu.memory_space<hbm>>
    %dma_wait3A_163 = arith.constant 0 : i32
    %dma_wait3A_164 = arith.constant 0 : i32
    %dma_wait3A_165 = tpu.memref_slice %arg8[%dma_wait3A_163, %dma_wait3A_164] : memref<384x128xf32, #tpu.memory_space<vmem>> -> memref<64x128xf32, #tpu.memory_space<vmem>>
    tpu.wait_dma2 semaphore(%arg12 : memref<!tpu.dma_semaphore, #tpu.memory_space<semaphore_mem>>) src(%dma_wait3A_165 : memref<64x128xf32, #tpu.memory_space<vmem>>) dst(%dma_wait3A_162 : memref<64x128xf32, #tpu.memory_space<hbm>>)
    %dma_wait3A_166 = arith.constant 0 : i32
    %dma_wait3A_167 = arith.constant 0 : i32
    %dma_wait3A_168 = tpu.memref_slice %arg8[%dma_wait3A_166, %dma_wait3A_167] : memref<384x128xf32, #tpu.memory_space<vmem>> -> memref<64x128xf32, #tpu.memory_space<vmem>>
    %dma_wait3A_169 = arith.constant 0 : i32
    %dma_wait3A_170 = tpu.memref_slice %arg5[%mul3A_2, %dma_wait3A_169] : memref<16384x128xf32, #tpu.memory_space<hbm>> -> memref<64x128xf32, #tpu.memory_space<hbm>>
    %dma_wait3A_171 = arith.constant 0 : i32
    %dma_wait3A_172 = tpu.memref_slice %arg5[%mul3A_2, %dma_wait3A_171] : memref<16384x128xf32, #tpu.memory_space<hbm>> -> memref<64x128xf32, #tpu.memory_space<hbm>>
    %dma_wait3A_173 = arith.constant 0 : i32
    %dma_wait3A_174 = arith.constant 0 : i32
    %dma_wait3A_175 = tpu.memref_slice %arg8[%dma_wait3A_173, %dma_wait3A_174] : memref<384x128xf32, #tpu.memory_space<vmem>> -> memref<64x128xf32, #tpu.memory_space<vmem>>
    tpu.wait_dma2 semaphore(%arg12 : memref<!tpu.dma_semaphore, #tpu.memory_space<semaphore_mem>>) src(%dma_wait3A_175 : memref<64x128xf32, #tpu.memory_space<vmem>>) dst(%dma_wait3A_172 : memref<64x128xf32, #tpu.memory_space<hbm>>)
    %dma_wait3A_176 = arith.constant 0 : i32
    %dma_wait3A_177 = arith.constant 0 : i32
    %dma_wait3A_178 = tpu.memref_slice %arg8[%dma_wait3A_176, %dma_wait3A_177] : memref<384x128xf32, #tpu.memory_space<vmem>> -> memref<64x128xf32, #tpu.memory_space<vmem>>
    %dma_wait3A_179 = arith.constant 0 : i32
    %dma_wait3A_180 = tpu.memref_slice %arg5[%mul3A_2, %dma_wait3A_179] : memref<16384x128xf32, #tpu.memory_space<hbm>> -> memref<64x128xf32, #tpu.memory_space<hbm>>
    %dma_wait3A_181 = arith.constant 0 : i32
    %dma_wait3A_182 = tpu.memref_slice %arg5[%mul3A_2, %dma_wait3A_181] : memref<16384x128xf32, #tpu.memory_space<hbm>> -> memref<64x128xf32, #tpu.memory_space<hbm>>
    %dma_wait3A_183 = arith.constant 0 : i32
    %dma_wait3A_184 = arith.constant 0 : i32
    %dma_wait3A_185 = tpu.memref_slice %arg8[%dma_wait3A_183, %dma_wait3A_184] : memref<384x128xf32, #tpu.memory_space<vmem>> -> memref<64x128xf32, #tpu.memory_space<vmem>>
    tpu.wait_dma2 semaphore(%arg12 : memref<!tpu.dma_semaphore, #tpu.memory_space<semaphore_mem>>) src(%dma_wait3A_185 : memref<64x128xf32, #tpu.memory_space<vmem>>) dst(%dma_wait3A_182 : memref<64x128xf32, #tpu.memory_space<hbm>>)
    %dma_wait3A_186 = arith.constant 0 : i32
    %dma_wait3A_187 = arith.constant 0 : i32
    %dma_wait3A_188 = tpu.memref_slice %arg8[%dma_wait3A_186, %dma_wait3A_187] : memref<384x128xf32, #tpu.memory_space<vmem>> -> memref<64x128xf32, #tpu.memory_space<vmem>>
    %dma_wait3A_189 = arith.constant 0 : i32
    %dma_wait3A_190 = tpu.memref_slice %arg5[%mul3A_2, %dma_wait3A_189] : memref<16384x128xf32, #tpu.memory_space<hbm>> -> memref<64x128xf32, #tpu.memory_space<hbm>>
    %dma_wait3A_191 = arith.constant 0 : i32
    %dma_wait3A_192 = tpu.memref_slice %arg5[%mul3A_2, %dma_wait3A_191] : memref<16384x128xf32, #tpu.memory_space<hbm>> -> memref<64x128xf32, #tpu.memory_space<hbm>>
    %dma_wait3A_193 = arith.constant 0 : i32
    %dma_wait3A_194 = arith.constant 0 : i32
    %dma_wait3A_195 = tpu.memref_slice %arg8[%dma_wait3A_193, %dma_wait3A_194] : memref<384x128xf32, #tpu.memory_space<vmem>> -> memref<64x128xf32, #tpu.memory_space<vmem>>
    tpu.wait_dma2 semaphore(%arg12 : memref<!tpu.dma_semaphore, #tpu.memory_space<semaphore_mem>>) src(%dma_wait3A_195 : memref<64x128xf32, #tpu.memory_space<vmem>>) dst(%dma_wait3A_192 : memref<64x128xf32, #tpu.memory_space<hbm>>)
    return
  }
}

</mosaic_0001>

<sc_bundles>
// kernel: kernel.3.cloned.1.call-start
scs
__scs_entry_jumppad:
0x0: {  	(pc) =	sbr.rel $0x88, $3  }
0x1: {  	(tag) =	ssettag $0x0;
	lr =	simm.s32 $0x1  }
0x2: {  	[smem:$0x3F9E] =	sst lr;
	_ =	strace $0xD0000000  }
0x3: {  	_ = 	snop  }
0x4: {  	_ = 	snop  }
0x5: {  	_ = 	snop  }
0x6: {  	_ = 	snop  }
0x7: {  	_ = 	snop  }
__scs_overlays_trampoline_lowered:
0x8: {  	[smem:$0x3FAD] =	sst s0  }
0x9: {  	[smem:$0x3FAE] =	sst s1  }
0xa: {  	[smem:$0x3FAF] =	sst s2  }
0xb: {  	[smem:$0x3FB0] =	sst s3  }
0xc: {  	[smem:$0x3FB1] =	sst s4  }
0xd: {  	[smem:$0x3FB2] =	sst s5  }
0xe: {  	[smem:$0x3FB3] =	sst s6  }
0xf: {  	[smem:$0x3FB4] =	sst s7  }
0x10: {  	[smem:$0x3FB5] =	sst s8  }
0x11: {  	[smem:$0x3FB6] =	sst s9;
	s0 =	simm.s32 @!p0 $0x0  }
0x12: {  	s1 =	sld [smem:$0x3F9C];
	s0 =	simm.s32 @p0 $0x1  }
0x13: {  	[smem:$0x3FB7] =	sst s0;
	s0 =	simm.s32 @!p1 $0x0  }
0x14: {  	s2 =	sld [smem:$0x3F9B];
	s0 =	simm.s32 @p1 $0x1  }
0x15: {  	[smem:$0x3FB8] =	sst s0;
	s0 =	simm.s32 @!p2 $0x0  }
0x16: {  	s3 =	sld [smem:$0x3FDB];
	s0 =	simm.s32 @p2 $0x1  }
0x17: {  	s4 =	simm.s32 $0x1BF5;
	[smem:$0x3FBA] =	sst s0  }
0x18: {  	s0 =	sld [smem:$0x3F9D];
	_ =	swait.ge [sflag:s4], $0x0  }
0x19: {  	s7 =	sld [smem:$0x3F9E]  }
0x1a: {  	s8 =	sadd.s32 $0xFFFFE003, lr  }
0x1b: {  	s9 =	sadd.s32 $0xFFFFFEF7, lr;
	s5 =	simm.s32 $0xFFFFFFFF;
	p2 =	slt.u32 s8, $0xFFFFF086  }
0x1c: {  	p1 =	slt.u32 s9, $0xF7A;
	s5 =	simm.s32 @!p2 $0x0  }
0x1d: {  	s5 =	simm.s32 @p1 $0x1;
	p0 =	seq.s32 s7, s2  }
0x1e: {  	s7 =	smul.u32 @!p0 $0xF7A, s2;
	p2 =	seq.s32 @!p0 s5, $0x0  }
0x1f: {  	s9 =	smul.u32 $0xF7A, s1;
	s8 =	simm.s32 @!p0 $0x1BF5;
	p2 =	por !p2, p0  }
0x20: {  	[sflag:s8] =	ssyncset.s32 @!p0 $0xFFFFF086;
	s6 =	sadd.s32 @!p0 s3, s7;
	s7 =	simm.s32 @!p0 $0x108  }
0x21: {  	s3 =	sadd.s32 s3, s9;
	s6 =	sadd.s32 @!p0 $0x88, s6;
	s7 =	simm.s32 @p2 $0x1082  }
0x22: {  	[simem:s7], [sflag:s8] =	dma.local @!p0 [hbm:s6], $0xF7A  }
0x23: {  	s9 =	sor.u32 $0xD0000000, s2;
	s6 =	simm.s32 $0x108;
	_ =	swait.ge @!p0 [sflag:s8], $0x0  }
0x24: {  	s3 =	sadd.s32 $0x88, s3;
	s6 =	simm.s32 @!p1 $0x1082;
	[sflag:s4] =	ssyncset.s32 $0xFFFFF086  }
0x25: {  	[simem:s6], [sflag:s4] =	dma.local [hbm:s3], $0xF7A  }
0x26: {  	[smem:$0x3F9E] =	sst s1;
	(tag) =	ssettag s2;
	_ =	strace s9  }
0x27: {  	s1 =	sld [smem:$0x3FAE]  }
0x28: {  	s2 =	sld [smem:$0x3FAF]  }
0x29: {  	s4 =	sld [smem:$0x3FB1]  }
0x2a: {  	p0 =	seq.s32 s5, $0x0;
	s5 =	sld [smem:$0x3FB2]  }
0x2b: {  	s6 =	sld [smem:$0x3FB3]  }
0x2c: {  	s7 =	sld [smem:$0x3FB4]  }
0x2d: {  	s3 =	simm.s32 $0x108;
	s8 =	sld [smem:$0x3FB5]  }
0x2e: {  	s3 =	simm.s32 @!p0 $0x1082;
	s9 =	sld [smem:$0x3FB6]  }
0x2f: {  	lr =	sadd.s32 s0, s3;
	s0 =	sld [smem:$0x3FAD]  }
0x30: {  	s3 =	sld [smem:$0x3FB0]  }
0x31: {  	[smem:$0x3FB9] =	sst s10  }
0x32: {  	s10 =	sld [smem:$0x3FB7];
	_ =	sdelay $0x3  }
0x33: {  	p0 =	seq.s32 s10, $0x1;
	s10 =	sld [smem:$0x3FB9];
	_ =	sdelay $0x3  }
0x34: {  	[smem:$0x3FB9] =	sst s10  }
0x35: {  	s10 =	sld [smem:$0x3FB8];
	_ =	sdelay $0x3  }
0x36: {  	p1 =	seq.s32 s10, $0x1;
	s10 =	sld [smem:$0x3FB9];
	_ =	sdelay $0x3  }
0x37: {  	[smem:$0x3FB9] =	sst s10  }
0x38: {  	s10 =	sld [smem:$0x3FBA]  }
0x39: {  	_ = 	snop;
	(pc) =	sbr.ind lr, $3  }
0x3a: {  	_ = 	snop  }
0x3b: {  	_ = 	snop  }
0x3c: {  	p2 =	seq.s32 s10, $0x1;
	s10 =	sld [smem:$0x3FB9]  }
0x3d: {  	_ =	shalt  }
0x3e: {  	_ =	shalt  }
0x3f: {  	_ =	shalt  }
0x40: {  	_ =	shalt  }
0x41: {  	_ =	shalt  }
0x42: {  	_ =	shalt  }
0x43: {  	_ =	shalt  }
0x44: {  	_ =	shalt  }
0x45: {  	_ =	shalt  }
0x46: {  	_ =	shalt  }
0x47: {  	_ =	shalt  }
0x48: {  	_ =	shalt  }
0x49: {  	_ =	shalt  }
0x4a: {  	_ =	shalt  }
0x4b: {  	_ =	shalt  }
0x4c: {  	_ =	shalt  }
0x4d: {  	_ =	shalt  }
0x4e: {  	_ =	shalt  }
0x4f: {  	_ =	shalt  }
0x50: {  	_ =	shalt  }
0x51: {  	_ =	shalt  }
0x52: {  	_ =	shalt  }
0x53: {  	_ =	shalt  }
0x54: {  	_ =	shalt  }
0x55: {  	_ =	shalt  }
0x56: {  	_ =	shalt  }
0x57: {  	_ =	shalt  }
0x58: {  	_ =	shalt  }
0x59: {  	_ =	shalt  }
0x5a: {  	_ =	shalt  }
0x5b: {  	_ =	shalt  }
0x5c: {  	_ =	shalt  }
0x5d: {  	_ =	shalt  }
0x5e: {  	_ =	shalt  }
0x5f: {  	_ =	shalt  }
0x60: {  	_ =	shalt  }
0x61: {  	_ =	shalt  }
0x62: {  	_ =	shalt  }
0x63: {  	_ =	shalt  }
0x64: {  	_ =	shalt  }
0x65: {  	_ =	shalt  }
0x66: {  	_ =	shalt  }
0x67: {  	_ =	shalt  }
0x68: {  	_ =	shalt  }
0x69: {  	_ =	shalt  }
0x6a: {  	_ =	shalt  }
0x6b: {  	_ =	shalt  }
0x6c: {  	_ =	shalt  }
0x6d: {  	_ =	shalt  }
0x6e: {  	_ =	shalt  }
0x6f: {  	_ =	shalt  }
0x70: {  	_ =	shalt  }
0x71: {  	_ =	shalt  }
0x72: {  	_ =	shalt  }
0x73: {  	_ =	shalt  }
0x74: {  	_ =	shalt  }
0x75: {  	_ =	shalt  }
0x76: {  	_ =	shalt  }
0x77: {  	_ =	shalt  }
0x78: {  	_ =	shalt  }
0x79: {  	_ =	shalt  }
0x7a: {  	_ =	shalt  }
0x7b: {  	_ =	shalt  }
0x7c: {  	_ =	shalt  }
0x7d: {  	_ =	shalt  }
0x7e: {  	_ =	shalt  }
0x7f: {  	_ =	shalt  }
0x80: {  	_ =	shalt  }
0x81: {  	_ =	shalt  }
0x82: {  	_ =	shalt  }
0x83: {  	_ =	shalt  }
0x84: {  	_ =	shalt  }
0x85: {  	_ =	shalt  }
0x86: {  	_ =	shalt  }
0x87: {  	_ =	shalt  }
.Lfunc_end0:
.L_simem_size_0:
called_computation_lowered:
.L_overlay_start_0:
0x88: {  	s2 =	sld [smem:$0x3FD9]  }
0x89: {  	s3 =	sld [smem:$0x3FFE];
	_ =	sdelay $0x1  }
0x8a: {  	s1 =	srdreg.scid  }
0x8b: {  	s0 =	sand.u32 $0x1, s1  }
0x8c: {  	s18 =	sshll.u32 s0, $0xA;
	s2 =	sadd.s32 s3, s2  }
0x8d: {  	s2 =	sadd.s32 s2, s18  }
0x8e: {  	[smem:$0x3FC5] =	sst s2  }
0x8f: {  	_ = 	snop  }
0x90: {  	s2 =	sld [smem:$0x3FC9]  }
0x91: {  	s19 =	sld [smem:$0x3FC8]  }
0x92: {  	s4 =	sld [smem:$0x3FC7]  }
0x93: {  	s5 =	sld [smem:$0x3FD0];
	(tm) =	ssettm $0x1  }
0x94: {  	s6 =	sld [smem:$0x3FFB];
	_ =	sdelay $0x3  }
0x95: {  	_ =	strace s6  }
0x96: {  	s6 =	sld [smem:$0x3FFC];
	_ =	sdelay $0x3  }
0x97: {  	_ =	strace s6  }
0x98: {  	s6 =	sld [smem:$0x3FFD];
	_ =	sdelay $0x3  }
0x99: {  	_ =	strace s6  }
0x9a: {  	_ =	strace $0x8FFFFFFF  }
0x9b: {  	s20 =	sld [smem:$0x3FDB];
	_ =	sdelay $0x1  }
0x9c: {  	s7 =	simm.s32 $_scs_section_size  }
0x9d: {  	s8 =	simm.s32 $_size__tile_overlayer_lowered;
	s9 =	simm.s32 $_tile_overlayer_lowered  }
0x9e: {  	s23 =	simm.s32 $0x1BFF;
	s22 =	sshll.u32 s9, $0x1;
	s6 =	sadd.s32 s7, s20  }
0x9f: {  	s10 =	simm.s32 $0x0;
	s21 =	sshll.u32 s8, $0x1;
	s8 =	sadd.s32 s22, s6  }
0xa0: {  	[timem:s10], [sflag:s23] =	dma.local [hbm:s8], s21  }
0xa1: {  	_ =	swait.ge [sflag:s23], s21  }
0xa2: {  	s7 =	ssub.s32 $0x0, s21;
	[sflag:s23] =	ssyncset.done $0x0  }
0xa3: {  	[sflag:s23] =	ssyncadd.s32 s7;
	_ =	sdelay $0x1  }
0xa4: {  	s24 =	simm.s32 $0x1B8B  }
0xa5: {  	_ =	swait.ge [sflag:s24], $0x1  }
0xa6: {  	[sflag:s24] =	ssyncset.done $0x0  }
0xa7: {  	s25 =	simm.s32 $0x1B8E;
	[sflag:s24] =	ssyncadd.s32 $0xFFFFFFFF  }
0xa8: {  	s26 =	simm.s32 $execute0_lowered;
	[smem:$0x3FD2] =	sst s25  }
0xa9: {  	s7 =	sshll.u32 s26, $0x1;
	_ =	strace $0x80000046;
	[dreg:$0x1] =	wrdreg $0xFFFFFFFF  }
0xaa: {  	s28 =	simm.s32 $_size_execute0_lowered;
	s6 =	sadd.s32 s6, s7;
	[dreg:$0x0] =	wrdreg $0x0  }
0xab: {  	s7 =	sshll.u32 s28, $0x1;
	[dreg:$0x2] =	wrdreg s6  }
0xac: {  	[dreg:$0x3] =	wrdreg s7  }
0xad: {  	[dreg:$0x4] =	wrdreg $0xC0  }
0xae: {  	_ =	task [dreg:s10], $0x5FFFF  }
0xaf: {  	[dreg:$0x1] =	wrdreg $0xFFFFFFFF  }
0xb0: {  	[dreg:$0x0] =	wrdreg $0x60  }
0xb1: {  	[dreg:$0x2] =	wrdreg s2  }
0xb2: {  	[dreg:$0x3] =	wrdreg s19  }
0xb3: {  	[dreg:$0x4] =	wrdreg s4  }
0xb4: {  	[dreg:$0x5] =	wrdreg s5  }
0xb5: {  	[dreg:$0x6] =	wrdreg $0x1C2000  }
0xb6: {  	[dreg:$0x7] =	wrdreg $0x9  }
0xb7: {  	_ =	task.clear_ibuf [dreg:s10], $0x8FFFF;
	_ =	strace $0x90000046  }
0xb8: {  	s29 =	simm.s32 $0x9;
	_ =	strace $0x80000048  }
0xb9: {  	_ =	swait.ge [sflag:s29], $0x1  }
0xba: {  	[sflag:s29] =	ssyncadd.s32 $0xFFFFFFFF  }
0xbb: {  	_ =	strace $0x90000048  }
0xbc: {  	_ =	sfence  }
0xbd: {  	s30 =	sld [smem:$0x0];
	_ =	sdelay $0x2  }
0xbe: {  	s31 =	sshll.u32 s1, $0xD;
	s1 =	sshrl.u32 s1, $0x2  }
0xbf: {  	s3 =	sand.u32 $0x4000, s31;
	s1 =	sadd.s32 s1, s30  }
0xc0: {  	s0 =	sor.u32 s3, s0;
	s1 =	sshll.u32 s1, $0x11  }
0xc1: {  	s0 =	sor.u32 s1, s0  }
0xc2: {  	s0 =	sadd.s32 $0x8F2B, s0  }
0xc3: {  	[sflag:s0] =	ssyncadd.remote.s32 $0x1  }
0xc4: {  	_ =	sfence.sel $0xFFFF  }
0xc5: {  	[dreg:$0x0] =	wrdreg $0xFFFFFFFF;
	(pc) =	sbr.abs _section_cstart, $3  }
0xc6: {  	[dreg:$0x1] =	wrdreg $0xFFFFFFFF  }
0xc7: {  	_ =	task.clear_ibuf [dreg:s10], $0x2FFFF;
	_ =	strace $0x9FFFFFFF  }
0xc8: {  	(tm) =	ssettm $0x7FFFFFFF  }
0xc9: {  	_ =	shalt  }
tec
execute0_lowered:
.L_overlay_start_1:
0x0: {  	(tag) =	ssettag $0x1  }
0x1: {  	s0 =	rddreg [dreg:$0x0]  }
0x2: {  	s1 =	rddreg [dreg:$0x1]  }
0x3: {  	s12 =	rddreg [dreg:$0x2]  }
0x4: {  	s2 =	rddreg [dreg:$0x3];
	s4 =	srdreg.scid  }
0x5: {  	s3 =	rddreg [dreg:$0x4];
	s18 =	stileid.u32;
	s23 =	simm.s32 $0x4  }
0x6: {  	s24 =	simm.s32 $0x40;
	s25 =	simm.s32 $0xE200;
	s26 =	simm.s32 $0x1  }
0x7: {  	s28 =	simm.s32 $0x2;
	s29 =	simm.s32 $0x3;
	s30 =	simm.s32 $0x0  }
0x8: {  	s5 =	sand.u32 $0x1, s4;
	s6 =	sshll.u32 s18, $0xA;
	s4 =	simm.s32 $0x0  }
0x9: {  	s11 =	sadd.s32 $0x3800, s12;
	s13 =	sshll.u32 s18, $0xE;
	s15 =	sshll.u32 s18, $0xB  }
0xa: {  	p0 =	sgt.u32 s18, $0x6;
	s7 =	sshll.u32 s5, $0x9;
	s8 =	ssub.s32 $0x2, s5  }
0xb: {  	[smem:$0x7FF] =	sst s4;
	s17 =	sadd.s32 s13, s3;
	s12 =	sadd.s32 s12, s15  }
0xc: {  	p1 =	sne.s32 @p0 s18, $0x7;
	s5 =	sor.u32 s7, s6;
	s31 =	sshrl.u32 s8, $0x1  }
0xd: {  	_ =	strace $0x80000047;
	p1 =	por p1, !p0;
	s22 =	sshrl.u32 @!p0 s17, $0x3  }
.Ltmp0:
0xe: {  	s7 =	sshll.u32 s5, $0x4;
	s14 =	ssub.s32 s8, s31;
	(pc) =	sbr.rel .LBB2_1-.Ltmp0, $4  }
0xf: {  	s16 =	sshrl.u32 s5, $0x3;
	s6 =	sadd.s32 s0, s7;
	s0 =	sadd.s32 $0x1C000, s3  }
0x10: {  	s13 =	sadd.s32 s1, s16;
	s14 =	smax.u32 s14, $0x1;
	s1 =	sshll.u32 @!p0 s18, $0x6  }
0x11: {  	s7 =	sadd.s32 $0x400, s6;
	s8 =	sadd.s32 $0x800, s6;
	s9 =	sadd.s32 $0xC00, s6  }
0x12: {  	s10 =	sadd.s32 $0x1000, s6;
	s20 =	sshrl.u32 @!p1 s0, $0x3;
	s21 =	sor.u32 @!p0 $0x1C04, s1  }
.LBB2_9:
0x13: {  	_ =	swait.ge [sflag:s29], $0x2000  }
0x14: {  	[sflag:s29] =	ssyncset.done $0x0  }
0x15: {  	[sflag:s29] =	ssyncadd.s32 $0xFFFFE000  }
0x16: {  	_ =	swait.ge [sflag:s29], $0x2000  }
0x17: {  	[sflag:s29] =	ssyncset.done $0x0  }
0x18: {  	[sflag:s29] =	ssyncadd.s32 $0xFFFFE000  }
0x19: {  	_ =	swait.ge [sflag:s29], $0x2000  }
0x1a: {  	[sflag:s29] =	ssyncset.done $0x0  }
0x1b: {  	[sflag:s29] =	ssyncadd.s32 $0xFFFFE000  }
0x1c: {  	_ =	swait.ge [sflag:s29], $0x2000  }
0x1d: {  	[sflag:s29] =	ssyncset.done $0x0  }
0x1e: {  	s30 =	sadd.s32 $0x1, s30;
	[sflag:s29] =	ssyncadd.s32 $0xFFFFE000  }
0x1f: {  	p2 =	sne.s32 s30, s14;
	_ =	swait.ge [sflag:s29], $0x2000  }
.Ltmp1:
0x20: {  	[sflag:s29] =	ssyncset.done $0x0;
	(pc) =	sbr.rel @!p2 .LBB2_10-.Ltmp1, $4  }
0x21: {  	[sflag:s29] =	ssyncadd.s32 $0xFFFFE000  }
0x22: {  	_ =	swait.ge [sflag:s29], $0x2000  }
0x23: {  	[sflag:s29] =	ssyncset.done $0x0  }
0x24: {  	[sflag:s29] =	ssyncadd.s32 $0xFFFFE000  }
.LBB2_1:
0x25: {  	s0 =	simm.s32 $0x10200  }
0x26: {  	[tilespmem:s0], [sflag:$0x2] =	stream.linear.gather [hbm4b:s6+s4], $0x2000, $0x38;
	[tilespmem:$0x1E140] =	vst v63  }
0x27: {  	s19 =	simm.s32 $0x12200  }
0x28: {  	[tilespmem:s19], [sflag:$0x2] =	stream.linear.gather [hbm4b:s7+s4], $0x2000, $0x38;
	[tilespmem:$0x1E140] =	vst v63  }
0x29: {  	s31 =	simm.s32 $0x14200  }
0x2a: {  	[tilespmem:s31], [sflag:$0x2] =	stream.linear.gather [hbm4b:s8+s4], $0x2000, $0x38;
	[tilespmem:$0x1E140] =	vst v63  }
0x2b: {  	s1 =	simm.s32 $0x16200  }
0x2c: {  	[tilespmem:s1], [sflag:$0x2] =	stream.linear.gather [hbm4b:s9+s4], $0x2000, $0x38;
	[tilespmem:$0x1E140] =	vst v63  }
0x2d: {  	s15 =	simm.s32 $0x18200;
	s0 =	simm.s32 @!p1 $0x1DC4  }
0x2e: {  	[tilespmem:s15], [sflag:$0x2] =	stream.linear.gather [hbm4b:s10+s4], $0x2000, $0x38;
	[tilespmem:$0x1E140] =	vst v63  }
0x2f: {  	[spmem:s20], [sflag:s0] =	dma.local @!p1 [hbm:s11], $0x680  }
0x30: {  	s0 =	simm.s32 @!p1 $0x4  }
0x31: {  	_ =	swait.ge @!p1 [sflag:s0], $0x680  }
0x32: {  	[sflag:s0] =	ssyncset.done @!p1 $0x0  }
0x33: {  	[sflag:s0] =	ssyncadd.s32 @!p1 $0xFFFFF980;
	s0 =	simm.s32 @!p0 $0x4  }
0x34: {  	[spmem:s22], [sflag:s21] =	dma.local @!p0 [hbm:s12], $0x800  }
0x35: {  	_ =	swait.ge @!p0 [sflag:s0], $0x800  }
0x36: {  	[sflag:s0] =	ssyncset.done @!p0 $0x0  }
0x37: {  	[sflag:s0] =	ssyncadd.s32 @!p0 $0xFFFFF800  }
0x38: {  	[tilespmem:s4], [sflag:$0x4] =	stream.linear.gather [hbm4b:s13+s4], $0x200, $0x38;
	[tilespmem:$0x1E140] =	vst v63  }
0x39: {  	_ =	swait.ge [sflag:s23], $0x200  }
0x3a: {  	[sflag:s23] =	ssyncset.done $0x0  }
0x3b: {  	[sflag:s23] =	ssyncadd.s32 $0xFFFFFE00  }
0x3c: {  	s16 =	simm.s32 $0x200;
	[bflag:$0x0] =	sbarrier.arrive $0xFFFF  }
0x3d: {  	[tilespmem:s16], [sflag:$0x1] =	stream.indirect.gather [spmem:s3], $0x80, s4, s24, $0xb8;
	[tilespmem:$0x1E140] =	vst v63  }
0x3e: {  	s17 =	simm.s32 $0x2200  }
0x3f: {  	[tilespmem:s17], [sflag:$0x1] =	stream.indirect.gather [spmem:s3], $0x80, s24, s24, $0xb8;
	[tilespmem:$0x1E140] =	vst v63  }
0x40: {  	s18 =	simm.s32 $0x80;
	s1 =	simm.s32 $0x4200  }
0x41: {  	[tilespmem:s1], [sflag:$0x1] =	stream.indirect.gather [spmem:s3], $0x80, s18, s24, $0xb8;
	[tilespmem:$0x1E140] =	vst v63  }
0x42: {  	s19 =	simm.s32 $0xC0;
	s31 =	simm.s32 $0x6200  }
0x43: {  	[tilespmem:s31], [sflag:$0x1] =	stream.indirect.gather [spmem:s3], $0x80, s19, s24, $0xb8;
	[tilespmem:$0x1E140] =	vst v63  }
0x44: {  	s15 =	simm.s32 $0x8200;
	s1 =	simm.s32 $0x100  }
0x45: {  	[tilespmem:s15], [sflag:$0x1] =	stream.indirect.gather [spmem:s3], $0x80, s1, s24, $0xb8;
	[tilespmem:$0x1E140] =	vst v63  }
0x46: {  	s16 =	simm.s32 $0x140;
	s17 =	simm.s32 $0xA200  }
0x47: {  	[tilespmem:s17], [sflag:$0x1] =	stream.indirect.gather [spmem:s3], $0x80, s16, s24, $0xb8;
	[tilespmem:$0x1E140] =	vst v63  }
.Ltmp2:
0x48: {  	_ = 	snop;
	(pc) =	sbr.rel .LBB2_2-.Ltmp2, $4  }
0x49: {  	s18 =	simm.s32 $0x180;
	s19 =	simm.s32 $0xC200  }
0x4a: {  	[tilespmem:s19], [sflag:$0x1] =	stream.indirect.gather [spmem:s3], $0x80, s18, s24, $0xb8;
	[tilespmem:$0x1E140] =	vst v63  }
0x4b: {  	s0 =	simm.s32 $0x0;
	s31 =	simm.s32 $0x1C0;
	s19 =	simm.s32 $0x300  }
0x4c: {  	[tilespmem:s25], [sflag:$0x1] =	stream.indirect.gather [spmem:s3], $0x80, s31, s24, $0xb8;
	[tilespmem:$0x1E140] =	vst v63  }
.LBB2_5:
0x4d: {  	_ =	swait.ge [sflag:s29], $0x2000  }
0x4e: {  	[sflag:s29] =	ssyncset.done $0x0  }
0x4f: {  	[sflag:s29] =	ssyncadd.s32 $0xFFFFE000  }
.LBB2_7:
0x50: {  	s15 =	sadd.s32 $0x5, s0  }
0x51: {  	s17 =	smulhi.u32 $0xAAAAAAAB, s15;
	_ =	sdelay $0x1  }
0x52: {  	s17 =	sshrl.u32 s17, $0x2  }
0x53: {  	s17 =	smul.u32 $0x6, s17;
	_ =	sdelay $0x1  }
0x54: {  	s17 =	ssub.s32 s15, s17  }
0x55: {  	s15 =	sshll.u32 s15, $0xA;
	s17 =	sshll.u32 s17, $0xD  }
0x56: {  	s15 =	sadd.s32 s15, s6;
	s17 =	sor.u32 $0x10200, s17  }
0x57: {  	[tilespmem:s17], [sflag:$0x2] =	stream.linear.gather [hbm4b:s15+s4], $0x2000, $0x38;
	[tilespmem:$0x1E140] =	vst v63  }
.LBB2_8:
0x58: {  	s0 =	sadd.s32 $0x1, s0  }
0x59: {  	p2 =	sne.s32 s0, $0x8  }
.Ltmp3:
0x5a: {  	_ = 	snop;
	(pc) =	sbr.rel @!p2 .LBB2_9-.Ltmp3, $4  }
0x5b: {  	s1 =	sshll.u32 s1, $0xD;
	s15 =	sadd.s32 s5, s16  }
0x5c: {  	s1 =	sand.u32 $0x3FFFE000, s1;
	s15 =	sshll.u32 s15, $0x4  }
0x5d: {  	s19 =	sadd.s32 $0x2000, s19;
	s1 =	sadd.s32 $0x10200, s1;
	s15 =	sadd.s32 s2, s15  }
0x5e: {  	[hbm4b:s15+s4] =	stream.linear.scatter [tilespmem:s1], [sflag:$0x3], $0x2000, $0x38;
	[tilespmem:$0x1E140] =	vst v63  }
.LBB2_2:
0x5f: {  	_ =	swait.ge [sflag:s26], $0x2000  }
0x60: {  	s1 =	sadd.s32 $0xFFFFFFFA, s0;
	[sflag:s26] =	ssyncset.done $0x0  }
0x61: {  	s1 =	smin.u32 s0, s1;
	[sflag:s26] =	ssyncadd.s32 $0xFFFFE000  }
0x62: {  	s15 =	sshll.u32 s1, $0xF;
	_ =	swait.ge [sflag:s28], $0x2000  }
0x63: {  	s15 =	sshra.s32 s15, $0x2;
	[sflag:s28] =	ssyncset.done $0x0  }
0x64: {  	s15 =	sadd.s32 $0x10300, s15;
	[sflag:s28] =	ssyncadd.s32 $0xFFFFE000  }
0x65: {  	v0 =	vld [tilespmem:s15+$0x80]  }
0x66: {  	v1 =	vld [tilespmem:s19+$0x80]  }
0x67: {  	v2 =	vld [tilespmem:s15+$0xFFFFFF80]  }
0x68: {  	v3 =	vld [tilespmem:s19+$0xFFFFFF80]  }
0x69: {  	v4 =	vld [tilespmem:s15+$0x0]  }
0x6a: {  	v5 =	vld [tilespmem:s19+$0x0]  }
0x6b: {  	v6 =	vld [tilespmem:s15+$0xFFFFFF00];
	v0 =	vmul.f32 v1, v0  }
0x6c: {  	v1 =	vld [tilespmem:s19+$0xFFFFFF00]  }
0x6d: {  	[tilespmem:s15+$0x80] =	vst v0;
	v0 =	vld [tilespmem:s15+$0x90]  }
0x6e: {  	v2 =	vmul.f32 v3, v2;
	v3 =	vld [tilespmem:s19+$0x90]  }
0x6f: {  	v7 =	vld [tilespmem:s15+$0xFFFFFF10]  }
0x70: {  	[tilespmem:s15+$0xFFFFFF80] =	vst v2;
	v2 =	vmul.f32 v5, v4;
	v4 =	vld [tilespmem:s15+$0xFFFFFF90]  }
0x71: {  	v5 =	vld [tilespmem:s19+$0xFFFFFF90];
	v1 =	vmul.f32 v1, v6  }
0x72: {  	[tilespmem:s15+$0x0] =	vst v2;
	v2 =	vld [tilespmem:s15+$0x10]  }
0x73: {  	v6 =	vld [tilespmem:s19+$0x10];
	[tilespmem:s15+$0xFFFFFF00] =	vst v1;
	v0 =	vmul.f32 v3, v0  }
0x74: {  	v1 =	vld [tilespmem:s19+$0xFFFFFF10]  }
0x75: {  	[tilespmem:s15+$0x90] =	vst v0;
	v0 =	vld [tilespmem:s15+$0xA0]  }
0x76: {  	v3 =	vmul.f32 v5, v4;
	v4 =	vld [tilespmem:s19+$0xA0]  }
0x77: {  	v5 =	vld [tilespmem:s15+$0xFFFFFF20]  }
0x78: {  	[tilespmem:s15+$0xFFFFFF90] =	vst v3;
	v2 =	vmul.f32 v6, v2;
	v3 =	vld [tilespmem:s15+$0xFFFFFFA0]  }
0x79: {  	v6 =	vld [tilespmem:s19+$0xFFFFFFA0];
	v1 =	vmul.f32 v1, v7  }
0x7a: {  	[tilespmem:s15+$0x10] =	vst v2;
	v2 =	vld [tilespmem:s15+$0x20]  }
0x7b: {  	v7 =	vld [tilespmem:s19+$0x20];
	[tilespmem:s15+$0xFFFFFF10] =	vst v1;
	v0 =	vmul.f32 v4, v0  }
0x7c: {  	v1 =	vld [tilespmem:s19+$0xFFFFFF20]  }
0x7d: {  	[tilespmem:s15+$0xA0] =	vst v0;
	v0 =	vld [tilespmem:s15+$0xB0]  }
0x7e: {  	v3 =	vmul.f32 v6, v3;
	v4 =	vld [tilespmem:s19+$0xB0]  }
0x7f: {  	v6 =	vld [tilespmem:s15+$0xFFFFFF30]  }
0x80: {  	[tilespmem:s15+$0xFFFFFFA0] =	vst v3;
	v2 =	vmul.f32 v7, v2;
	v3 =	vld [tilespmem:s15+$0xFFFFFFB0]  }
0x81: {  	v7 =	vld [tilespmem:s19+$0xFFFFFFB0];
	v1 =	vmul.f32 v1, v5  }
0x82: {  	[tilespmem:s15+$0x20] =	vst v2;
	v2 =	vld [tilespmem:s15+$0x30]  }
0x83: {  	v5 =	vld [tilespmem:s19+$0x30];
	[tilespmem:s15+$0xFFFFFF20] =	vst v1;
	v0 =	vmul.f32 v4, v0  }
0x84: {  	v1 =	vld [tilespmem:s19+$0xFFFFFF30]  }
0x85: {  	[tilespmem:s15+$0xB0] =	vst v0;
	v0 =	vld [tilespmem:s15+$0xC0]  }
0x86: {  	v3 =	vmul.f32 v7, v3;
	v4 =	vld [tilespmem:s19+$0xC0]  }
0x87: {  	v7 =	vld [tilespmem:s15+$0xFFFFFF40]  }
0x88: {  	[tilespmem:s15+$0xFFFFFFB0] =	vst v3;
	v2 =	vmul.f32 v5, v2;
	v3 =	vld [tilespmem:s15+$0xFFFFFFC0]  }
0x89: {  	v5 =	vld [tilespmem:s19+$0xFFFFFFC0];
	v1 =	vmul.f32 v1, v6  }
0x8a: {  	[tilespmem:s15+$0x30] =	vst v2;
	v2 =	vld [tilespmem:s15+$0x40]  }
0x8b: {  	v6 =	vld [tilespmem:s19+$0x40];
	[tilespmem:s15+$0xFFFFFF30] =	vst v1;
	v0 =	vmul.f32 v4, v0  }
0x8c: {  	v1 =	vld [tilespmem:s19+$0xFFFFFF40]  }
0x8d: {  	[tilespmem:s15+$0xC0] =	vst v0;
	v0 =	vld [tilespmem:s15+$0xD0]  }
0x8e: {  	v3 =	vmul.f32 v5, v3;
	v4 =	vld [tilespmem:s19+$0xD0]  }
0x8f: {  	v5 =	vld [tilespmem:s15+$0xFFFFFF50]  }
0x90: {  	[tilespmem:s15+$0xFFFFFFC0] =	vst v3;
	v2 =	vmul.f32 v6, v2;
	v3 =	vld [tilespmem:s15+$0xFFFFFFD0]  }
0x91: {  	v6 =	vld [tilespmem:s19+$0xFFFFFFD0];
	v1 =	vmul.f32 v1, v7  }
0x92: {  	[tilespmem:s15+$0x40] =	vst v2;
	v2 =	vld [tilespmem:s15+$0x50]  }
0x93: {  	v7 =	vld [tilespmem:s19+$0x50];
	[tilespmem:s15+$0xFFFFFF40] =	vst v1;
	v0 =	vmul.f32 v4, v0  }
0x94: {  	v1 =	vld [tilespmem:s19+$0xFFFFFF50]  }
0x95: {  	[tilespmem:s15+$0xD0] =	vst v0;
	v0 =	vld [tilespmem:s15+$0xE0]  }
0x96: {  	v3 =	vmul.f32 v6, v3;
	v4 =	vld [tilespmem:s19+$0xE0]  }
0x97: {  	v6 =	vld [tilespmem:s15+$0xFFFFFF60]  }
0x98: {  	[tilespmem:s15+$0xFFFFFFD0] =	vst v3;
	v2 =	vmul.f32 v7, v2;
	v3 =	vld [tilespmem:s15+$0xFFFFFFE0]  }
0x99: {  	v7 =	vld [tilespmem:s19+$0xFFFFFFE0];
	v1 =	vmul.f32 v1, v5  }
0x9a: {  	[tilespmem:s15+$0x50] =	vst v2;
	v2 =	vld [tilespmem:s15+$0x60]  }
0x9b: {  	v5 =	vld [tilespmem:s19+$0x60];
	[tilespmem:s15+$0xFFFFFF50] =	vst v1;
	v0 =	vmul.f32 v4, v0  }
0x9c: {  	v4 =	vld [tilespmem:s19+$0xFFFFFF60]  }
0x9d: {  	v8 =	vld [tilespmem:s15+$0xF0];
	[tilespmem:s15+$0xE0] =	vst v0  }
0x9e: {  	v1 =	vmul.f32 v7, v3;
	v7 =	vld [tilespmem:s19+$0xF0]  }
0x9f: {  	v0 =	vld [tilespmem:s15+$0xFFFFFF70]  }
0xa0: {  	[tilespmem:s15+$0xFFFFFFE0] =	vst v1;
	v2 =	vmul.f32 v5, v2;
	v1 =	vld [tilespmem:s15+$0xFFFFFFF0]  }
0xa1: {  	v3 =	vld [tilespmem:s19+$0xFFFFFFF0];
	v4 =	vmul.f32 v4, v6  }
0xa2: {  	[tilespmem:s15+$0x60] =	vst v2;
	v2 =	vld [tilespmem:s15+$0x70]  }
0xa3: {  	s16 =	sshll.u32 s0, $0x6;
	[tilespmem:s15+$0xFFFFFF60] =	vst v4;
	v4 =	vld [tilespmem:s19+$0x70];
	v6 =	vmul.f32 v7, v8  }
0xa4: {  	s17 =	simm.s32 $0x0;
	s31 =	smov.u32 s19;
	s18 =	sadd.s32 $0x200, s15;
	v5 =	vld [tilespmem:s19+$0xFFFFFF70]  }
.LBB2_3:
0xa5: {  	v7 =	vld [tilespmem:s18+$0x80];
	[tilespmem:s15+$0xF0] =	vst v6;
	s31 =	sadd.s32 $0x200, s31  }
0xa6: {  	s17 =	sadd.s32 $0x4, s17;
	v6 =	vld [tilespmem:s31+$0x80];
	v1 =	vmul.f32 v3, v1  }
0xa7: {  	p2 =	slt.u32 s17, $0x3C;
	v3 =	vld [tilespmem:s31+$0xFFFFFF00]  }
0xa8: {  	v8 =	vld [tilespmem:s18+$0xFFFFFF80];
	[tilespmem:s15+$0xFFFFFFF0] =	vst v1;
	v1 =	vmul.f32 v4, v2  }
0xa9: {  	v2 =	vld [tilespmem:s31+$0xFFFFFF80];
	v0 =	vmul.f32 v5, v0  }
0xaa: {  	v4 =	vld [tilespmem:s18+$0x0];
	[tilespmem:s15+$0x70] =	vst v1  }
0xab: {  	v1 =	vld [tilespmem:s31+$0x0];
	v5 =	vmul.f32 v6, v7;
	[tilespmem:s15+$0xFFFFFF70] =	vst v0;
	s15 =	smov.u32 s18  }
0xac: {  	v0 =	vld [tilespmem:s18+$0xFFFFFF00]  }
0xad: {  	[tilespmem:s18+$0x80] =	vst v5;
	v5 =	vld [tilespmem:s18+$0x90]  }
0xae: {  	v2 =	vmul.f32 v2, v8;
	v6 =	vld [tilespmem:s31+$0x90]  }
0xaf: {  	v7 =	vld [tilespmem:s18+$0xFFFFFF10]  }
0xb0: {  	[tilespmem:s18+$0xFFFFFF80] =	vst v2;
	v2 =	vld [tilespmem:s18+$0xFFFFFF90];
	v1 =	vmul.f32 v1, v4  }
0xb1: {  	v0 =	vmul.f32 v3, v0;
	v3 =	vld [tilespmem:s31+$0xFFFFFF90]  }
0xb2: {  	[tilespmem:s18+$0x0] =	vst v1;
	v1 =	vld [tilespmem:s18+$0x10]  }
0xb3: {  	[tilespmem:s18+$0xFFFFFF00] =	vst v0;
	v0 =	vld [tilespmem:s31+$0x10];
	v4 =	vmul.f32 v6, v5  }
0xb4: {  	v5 =	vld [tilespmem:s31+$0xFFFFFF10]  }
0xb5: {  	[tilespmem:s18+$0x90] =	vst v4;
	v4 =	vld [tilespmem:s18+$0xA0]  }
0xb6: {  	v2 =	vmul.f32 v3, v2;
	v3 =	vld [tilespmem:s31+$0xA0]  }
0xb7: {  	v6 =	vld [tilespmem:s18+$0xFFFFFF20]  }
0xb8: {  	[tilespmem:s18+$0xFFFFFF90] =	vst v2;
	v2 =	vld [tilespmem:s18+$0xFFFFFFA0];
	v0 =	vmul.f32 v0, v1  }
0xb9: {  	v1 =	vmul.f32 v5, v7;
	v5 =	vld [tilespmem:s31+$0xFFFFFFA0]  }
0xba: {  	[tilespmem:s18+$0x10] =	vst v0;
	v0 =	vld [tilespmem:s18+$0x20]  }
0xbb: {  	[tilespmem:s18+$0xFFFFFF10] =	vst v1;
	v1 =	vld [tilespmem:s31+$0x20];
	v3 =	vmul.f32 v3, v4  }
0xbc: {  	v4 =	vld [tilespmem:s31+$0xFFFFFF20]  }
0xbd: {  	[tilespmem:s18+$0xA0] =	vst v3;
	v3 =	vld [tilespmem:s18+$0xB0]  }
0xbe: {  	v2 =	vmul.f32 v5, v2;
	v5 =	vld [tilespmem:s31+$0xB0]  }
0xbf: {  	v7 =	vld [tilespmem:s18+$0xFFFFFF30]  }
0xc0: {  	[tilespmem:s18+$0xFFFFFFA0] =	vst v2;
	v2 =	vld [tilespmem:s18+$0xFFFFFFB0];
	v0 =	vmul.f32 v1, v0  }
0xc1: {  	v1 =	vmul.f32 v4, v6;
	v4 =	vld [tilespmem:s31+$0xFFFFFFB0]  }
0xc2: {  	[tilespmem:s18+$0x20] =	vst v0;
	v0 =	vld [tilespmem:s18+$0x30]  }
0xc3: {  	[tilespmem:s18+$0xFFFFFF20] =	vst v1;
	v1 =	vld [tilespmem:s31+$0x30];
	v3 =	vmul.f32 v5, v3  }
0xc4: {  	v5 =	vld [tilespmem:s31+$0xFFFFFF30]  }
0xc5: {  	[tilespmem:s18+$0xB0] =	vst v3;
	v3 =	vld [tilespmem:s18+$0xC0]  }
0xc6: {  	v2 =	vmul.f32 v4, v2;
	v4 =	vld [tilespmem:s31+$0xC0]  }
0xc7: {  	v6 =	vld [tilespmem:s18+$0xFFFFFF40]  }
0xc8: {  	[tilespmem:s18+$0xFFFFFFB0] =	vst v2;
	v2 =	vld [tilespmem:s18+$0xFFFFFFC0];
	v0 =	vmul.f32 v1, v0  }
0xc9: {  	v1 =	vmul.f32 v5, v7;
	v5 =	vld [tilespmem:s31+$0xFFFFFFC0]  }
0xca: {  	[tilespmem:s18+$0x30] =	vst v0;
	v0 =	vld [tilespmem:s18+$0x40]  }
0xcb: {  	[tilespmem:s18+$0xFFFFFF30] =	vst v1;
	v1 =	vld [tilespmem:s31+$0x40];
	v3 =	vmul.f32 v4, v3  }
0xcc: {  	v4 =	vld [tilespmem:s31+$0xFFFFFF40]  }
0xcd: {  	[tilespmem:s18+$0xC0] =	vst v3;
	v3 =	vld [tilespmem:s18+$0xD0]  }
0xce: {  	v2 =	vmul.f32 v5, v2;
	v5 =	vld [tilespmem:s31+$0xD0]  }
0xcf: {  	v7 =	vld [tilespmem:s18+$0xFFFFFF50]  }
0xd0: {  	[tilespmem:s18+$0xFFFFFFC0] =	vst v2;
	v2 =	vld [tilespmem:s18+$0xFFFFFFD0];
	v0 =	vmul.f32 v1, v0  }
0xd1: {  	v1 =	vmul.f32 v4, v6;
	v4 =	vld [tilespmem:s31+$0xFFFFFFD0]  }
0xd2: {  	[tilespmem:s18+$0x40] =	vst v0;
	v0 =	vld [tilespmem:s18+$0x50]  }
0xd3: {  	[tilespmem:s18+$0xFFFFFF40] =	vst v1;
	v1 =	vld [tilespmem:s31+$0x50];
	v3 =	vmul.f32 v5, v3  }
0xd4: {  	v5 =	vld [tilespmem:s31+$0xFFFFFF50]  }
0xd5: {  	[tilespmem:s18+$0xD0] =	vst v3;
	v3 =	vld [tilespmem:s18+$0xE0]  }
0xd6: {  	v2 =	vmul.f32 v4, v2;
	v4 =	vld [tilespmem:s31+$0xE0]  }
0xd7: {  	v6 =	vld [tilespmem:s18+$0xFFFFFF60]  }
0xd8: {  	[tilespmem:s18+$0xFFFFFFD0] =	vst v2;
	v2 =	vld [tilespmem:s18+$0xFFFFFFE0];
	v0 =	vmul.f32 v1, v0  }
0xd9: {  	v1 =	vmul.f32 v5, v7;
	v5 =	vld [tilespmem:s31+$0xFFFFFFE0]  }
0xda: {  	[tilespmem:s18+$0x50] =	vst v0;
	v7 =	vld [tilespmem:s18+$0x60]  }
0xdb: {  	[tilespmem:s18+$0xFFFFFF50] =	vst v1;
	v8 =	vld [tilespmem:s31+$0x60];
	v0 =	vmul.f32 v4, v3  }
0xdc: {  	v3 =	vld [tilespmem:s31+$0xFFFFFF60]  }
0xdd: {  	[tilespmem:s18+$0xE0] =	vst v0;
	v9 =	vld [tilespmem:s18+$0xF0]  }
0xde: {  	v1 =	vmul.f32 v5, v2;
	v5 =	vld [tilespmem:s31+$0xF0]  }
0xdf: {  	v0 =	vld [tilespmem:s18+$0xFFFFFF70]  }
.Ltmp4:
0xe0: {  	[tilespmem:s18+$0xFFFFFFE0] =	vst v1;
	v1 =	vld [tilespmem:s18+$0xFFFFFFF0];
	v2 =	vmul.f32 v8, v7;
	(pc) =	sbr.rel @p2 .LBB2_3-.Ltmp4, $4  }
0xe1: {  	v4 =	vmul.f32 v3, v6;
	v3 =	vld [tilespmem:s31+$0xFFFFFFF0]  }
0xe2: {  	[tilespmem:s18+$0x60] =	vst v2;
	v2 =	vld [tilespmem:s18+$0x70]  }
0xe3: {  	[tilespmem:s18+$0xFFFFFF60] =	vst v4;
	v4 =	vld [tilespmem:s31+$0x70];
	v6 =	vmul.f32 v5, v9  }
0xe4: {  	s18 =	sadd.s32 $0x200, s18;
	v5 =	vld [tilespmem:s31+$0xFFFFFF70]  }
0xe5: {  	s17 =	sadd.s32 $0xFFFFFFFF, s0  }
0xe6: {  	p2 =	sgt.u32 s17, $0x1  }
.Ltmp5:
0xe7: {  	v1 =	vmul.f32 v3, v1;
	(pc) =	sbr.rel @!p2 .LBB2_5-.Ltmp5, $4  }
0xe8: {  	[tilespmem:s15+$0xF0] =	vst v6;
	v2 =	vmul.f32 v4, v2  }
0xe9: {  	[tilespmem:s15+$0xFFFFFFF0] =	vst v1;
	v0 =	vmul.f32 v5, v0  }
0xea: {  	[tilespmem:s15+$0x70] =	vst v2  }
0xeb: {  	[tilespmem:s15+$0xFFFFFF70] =	vst v0  }
0xec: {  	p2 =	sgt.u32 s0, $0x2  }
.Ltmp6:
0xed: {  	_ = 	snop;
	(pc) =	sbr.rel @p2 .LBB2_8-.Ltmp6, $4  }
.Ltmp7:
0xee: {  	_ = 	snop;
	(pc) =	sbr.rel @!p2 .LBB2_7-.Ltmp7, $4  }
0xef: {  	_ = 	snop  }
0xf0: {  	_ = 	snop  }
0xf1: {  	_ = 	snop  }
0xf2: {  	_ = 	snop  }
.LBB2_10:
0xf3: {  	_ =	sfence.sel $0x180000  }
0xf4: {  	[bflag:$0x0] =	sbarrier.arrive $0xFFFF  }
0xf5: {  	_ =	strace $0x90000047  }
0xf6: {  	s0 =	stileid.u32;
	[bflag:$0x2] =	sbarrier.arrive $0xFFFF  }
0xf7: {  	p0 =	sne.s32 s0, $0x0;
	s0 =	rddreg [dreg:$0x5]  }
0xf8: {  	s0 =	sadd.s32 @!p0 $0x100000, s0  }
0xf9: {  	[sflag:s0] =	ssyncadd.tile.s32 @!p0 $0x1;
	_ =	shalt  }
.Lfunc_end2:
_tile_overlayer_lowered:
.L_overlay_start_2:
0xfa: {  	(tag) =	ssettag $0x2  }
0xfb: {  	s0 =	rddreg [dreg:$0x0];
	s2 =	stileid.u32  }
0xfc: {  	s1 =	rddreg [dreg:$0x1];
	p0 =	sne.s32 s2, $0x0  }
0xfd: {  	s3 =	rddreg [dreg:$0x2];
	[bflag:$0x3] =	sbarrier.arrive $0xFFFF;
	s2 =	simm.s32 @!p0 $0x1C04  }
0xfe: {  	[timem:s3], [sflag:s2] =	dma.local @!p0 [hbm:s0], s1  }
0xff: {  	s0 =	simm.s32 @!p0 $0x4  }
0x100: {  	_ =	swait.ge @!p0 [sflag:s0], s1  }
0x101: {  	s1 =	ssub.s32 @!p0 $0x0, s1;
	[sflag:s0] =	ssyncset.done @!p0 $0x0  }
0x102: {  	[sflag:s0] =	ssyncadd.s32 @!p0 s1  }
0x103: {  	[bflag:$0x3] =	sbarrier.arrive $0xFFFF  }
0x104: {  	_ =	shalt  }

</sc_bundles>
